<compile_context>
chip_gen: v7x
topology: tpu7x:2x2x1
jax: 0.10.2.dev20260603
libtpu: 0.0.44.dev20260713+nightly
codegen_flags: <defaults>
</compile_context>

<pallas_src>
import functools

import jax
import jax.numpy as jnp
from jax import lax
from jax.experimental import pallas as pl
from jax.experimental.pallas import tpu as pltpu
from jax.experimental.pallas import tpu_sc as plsc

N = 10000
C = 128
K = 32
L = 16
NC, NS = 2, 16
NPAD = 10240
GS = 8
GK = GS * K
FAST = 0
CHF = 608
CHS = 32
NF = NS * CHF
GF = CHF // GS
GSL = CHS // GS
CW = C // 2
CG = CW // L
TJ = 1024


def _tc_body(x_ref, w_ref, a_ref, h_ref, s_ref):
    xb = x_ref[...]
    hb = lax.dot_general(xb, w_ref[...],
                         (((0,), (1,)), ((), ())),
                         preferred_element_type=jnp.float32)
    hb = jnp.maximum(hb, 0.0)
    h_ref[...] = hb.astype(jnp.bfloat16)
    s_ref[...] = lax.dot_general(a_ref[...], hb,
                                 (((0,), (1,)), ((), ())),
                                 preferred_element_type=jnp.float32)


_tc_call = pl.pallas_call(
    _tc_body,
    grid=(NPAD // TJ,),
    in_specs=[
        pl.BlockSpec((C, TJ), lambda j: (0, j)),
        pl.BlockSpec((C, C), lambda j: (0, 0)),
        pl.BlockSpec((C, 8), lambda j: (0, 0)),
    ],
    out_specs=[
        pl.BlockSpec((TJ, C), lambda j: (j, 0)),
        pl.BlockSpec((8, TJ), lambda j: (0, j)),
    ],
    out_shape=[
        jax.ShapeDtypeStruct((NPAD, C), jnp.bfloat16),
        jax.ShapeDtypeStruct((8, NPAD), jnp.float32),
    ],
)


def _compute_group(g, base, rows_v, self_v, out_v, s1_v, s2_v, e0_v, e1_v,
                   w_v, ws_v):
    lanes = lax.iota(jnp.int32, L)
    lane0 = lanes == 0

    def node_body(nig, carry):
        ib = (g * GS + nig) * K
        r32 = nig * K
        nid = base + g * GS + nig

        def leaky(v):
            return jnp.where(v >= 0.0, v, v * 0.2)

        def logits(lo):
            idxv = ib + lo + lanes
            i1 = plsc.load_gather(e1_v, [idxv])
            i0 = plsc.load_gather(e0_v, [idxv])
            return leaky(plsc.load_gather(s1_v, [i1])
                         + plsc.load_gather(s2_v, [i0]))

        al_a = logits(0)
        al_b = logits(L)
        nv = jnp.broadcast_to(nid, (L,))
        sv = leaky(plsc.load_gather(s1_v, [nv]) + plsc.load_gather(s2_v, [nv]))
        al_c = jnp.where(lane0, sv, -1e30)
        m = jnp.max(jnp.maximum(jnp.maximum(al_a, al_b), al_c))
        ea = jnp.exp(al_a - m)
        eb = jnp.exp(al_b - m)
        ec = jnp.exp(al_c - m)
        ssum = jnp.sum(ea + eb + ec)
        inv = jnp.ones((L,), jnp.float32) / jnp.broadcast_to(ssum, (L,))
        plsc.store_scatter(w_v, [r32 + lanes], ea * inv)
        plsc.store_scatter(w_v, [r32 + L + lanes], eb * inv)
        nr = jnp.broadcast_to(nig, (L,))
        plsc.store_scatter(ws_v, [nr], ec * inv, mask=lane0)

        def term(acc_e, acc_o, src_v, row, wk):
            ne, no = [], []
            for c in range(CG):
                pair = plsc.load_gather(src_v, [row, lanes + c * L])
                bf = plsc.bitcast(pair, jnp.bfloat16)
                ev, od = plsc.unpack(bf, format=plsc.PackFormat.INTERLEAVED)
                ne.append(acc_e[c] + wk * ev.astype(jnp.float32))
                no.append(acc_o[c] + wk * od.astype(jnp.float32))
            return ne, no

        def kbody(k, accs):
            acc_e, acc_o = accs
            rk = jnp.broadcast_to(r32 + k, (L,))
            wk = plsc.load_gather(w_v, [rk])
            ne, no = term(acc_e, acc_o, rows_v, rk, wk)
            return tuple(ne), tuple(no)

        zeros = tuple(jnp.zeros((L,), jnp.float32) for _ in range(CG))
        acc_e, acc_o = lax.fori_loop(0, K, kbody, (zeros, zeros))
        wself = plsc.load_gather(ws_v, [nr])
        acc_e, acc_o = term(acc_e, acc_o, self_v, nr, wself)
        for c in range(CG):
            plsc.store_scatter(out_v, [nr, 2 * lanes + c * 2 * L], acc_e[c])
            plsc.store_scatter(out_v, [nr, 2 * lanes + c * 2 * L + 1],
                               acc_o[c])
        return carry

    lax.fori_loop(0, GS, node_body, 0)


_sc_mesh = plsc.VectorSubcoreMesh(core_axis_name="c", subcore_axis_name="s")


@functools.partial(
    pl.kernel,
    mesh=_sc_mesh,
    out_type=jax.ShapeDtypeStruct((NPAD, C), jnp.float32),
    scratch_types=[
        pltpu.VMEM((NPAD,), jnp.float32),
        pltpu.VMEM((NPAD,), jnp.float32),
        pltpu.VMEM((CHF * K,), jnp.int32),
        pltpu.VMEM((CHF * K,), jnp.int32),
        pltpu.VMEM((GK, CW), jnp.int32),
        pltpu.VMEM((GK, CW), jnp.int32),
        pltpu.VMEM((GS, CW), jnp.int32),
        pltpu.VMEM((GS, CW), jnp.int32),
        pltpu.VMEM((GK,), jnp.float32),
        pltpu.VMEM((L,), jnp.float32),
        pltpu.VMEM((GS, C), jnp.float32),
        pltpu.VMEM((GS, C), jnp.float32),
        pltpu.SemaphoreType.DMA,
        pltpu.SemaphoreType.DMA,
        pltpu.SemaphoreType.DMA,
        pltpu.SemaphoreType.DMA,
    ],
    compiler_params=pltpu.CompilerParams(
        needs_layout_passes=False, use_tc_tiling_on_sc=False),
)
def _sc_gat(h_hbm, s1_hbm, s2_hbm, e0_hbm, e1_hbm, out_hbm,
            s1_v, s2_v, e0_v, e1_v, rows_a, rows_b, self_a, self_b,
            w_v, ws_v, out_a, out_b, gsem_a, gsem_b, osem_a, osem_b):
    cidx = lax.axis_index("c")
    sidx = lax.axis_index("s")
    is_fast = cidx == FAST
    base = jnp.where(is_fast, sidx * CHF, NF + sidx * CHS)
    gcount = jnp.where(is_fast, GF, GSL)

    pltpu.sync_copy(s1_hbm, s1_v)
    pltpu.sync_copy(s2_hbm, s2_v)
    ebase = pl.multiple_of(base * K, 8)

    @pl.when(is_fast)
    def _():
        pltpu.sync_copy(e0_hbm.at[pl.ds(ebase, CHF * K)], e0_v)
        pltpu.sync_copy(e1_hbm.at[pl.ds(ebase, CHF * K)], e1_v)

    @pl.when(jnp.logical_not(is_fast))
    def _():
        pltpu.sync_copy(e0_hbm.at[pl.ds(ebase, CHS * K)],
                        e0_v.at[pl.ds(0, CHS * K)])
        pltpu.sync_copy(e1_hbm.at[pl.ds(ebase, CHS * K)],
                        e1_v.at[pl.ds(0, CHS * K)])

    def g_copy(g, rows, selfr, sem):
        nb = pltpu.make_async_copy(
            h_hbm.at[e0_v.at[pl.ds(pl.multiple_of(g * GK, 8), GK)]],
            rows, sem)
        sf = pltpu.make_async_copy(
            h_hbm.at[pl.ds(pl.multiple_of(base + g * GS, 8), GS)],
            selfr, sem)
        return nb, sf

    def g_start(g, rows, selfr, sem):
        nb, sf = g_copy(g, rows, selfr, sem)
        nb.start()
        sf.start()

    def g_wait(g, rows, selfr, sem):
        nb, sf = g_copy(g, rows, selfr, sem)
        nb.wait()
        sf.wait()

    def o_copy(g, outb, sem):
        return pltpu.make_async_copy(
            outb, out_hbm.at[pl.ds(base + g * GS, GS)], sem)

    g_start(0, rows_a, self_a, gsem_a)

    def outer(t, carry):
        ga = 2 * t
        gb = ga + 1
        g_start(gb, rows_b, self_b, gsem_b)
        g_wait(ga, rows_a, self_a, gsem_a)

        @pl.when(t > 0)
        def _():
            o_copy(ga, out_a, osem_a).wait()

        _compute_group(ga, base, rows_a, self_a, out_a, s1_v, s2_v,
                       e0_v, e1_v, w_v, ws_v)
        o_copy(ga, out_a, osem_a).start()

        @pl.when(gb + 1 < gcount)
        def _():
            g_start(gb + 1, rows_a, self_a, gsem_a)

        g_wait(gb, rows_b, self_b, gsem_b)

        @pl.when(t > 0)
        def _():
            o_copy(gb, out_b, osem_b).wait()

        _compute_group(gb, base, rows_b, self_b, out_b, s1_v, s2_v,
                       e0_v, e1_v, w_v, ws_v)
        o_copy(gb, out_b, osem_b).start()
        return carry

    lax.fori_loop(0, gcount // 2, outer, 0)
    o_copy(gcount - 2, out_a, osem_a).wait()
    o_copy(gcount - 1, out_b, osem_b).wait()


def kernel(x, edge_index, W, att, b):
    att_i = att[0, :C, 0, 0]
    att_j = att[0, C:, 0, 0]
    att2 = jnp.zeros((C, 8), jnp.float32)
    att2 = att2.at[:, 0].set(att_i).at[:, 1].set(att_j)

    ef = jnp.pad(edge_index[:, 0].reshape(2, -1), ((0, 0), (0, (NPAD - N) * K)))

    h_t, s = _tc_call(x[0, :, :, 0], W, att2)
    h_i32 = lax.bitcast_convert_type(h_t.reshape(NPAD, CW, 2),
                                     jnp.int32)
    out_t = _sc_gat(h_i32, s[0], s[1], ef[0], ef[1])
    out = out_t[:N].T.reshape(1, C, N, 1)
    return out + b

# --- scband reference (transcript-rebuilt; emitter-appended) ---
"""Pipeline reference for scband-gatconv2d-21328807592398 (READ-ONLY COPY).

The authoritative reference and input builder live on the scoring server;
editing this copy changes nothing except your own understanding.
"""

import jax, jax.numpy as jnp
import numpy as np

B, C_IN, C_OUT, N, K = 1, 128, 128, 10000, 32


def setup_inputs(seed: int = 0) -> dict:
    key = jax.random.key(seed)
    k1, k2, k3, k4 = jax.random.split(key, 4)
    x = jax.random.normal(k1, (B, C_IN, N, 1), dtype=jnp.float32)
    edge_index = jax.random.randint(k2, (2, B, N, K), 0, N, dtype=jnp.int32)
    # BasicConv([in, out], bias=False): 1x1 Conv2d weight [out, in]
    std_w = (2.0 / (C_IN + C_OUT)) ** 0.5
    W = jax.random.normal(k3, (C_OUT, C_IN), dtype=jnp.float32) * std_w
    # glorot-initialized attention vector a: [1, 2*out, 1, 1]
    std_a = (6.0 / (2 * C_OUT + 1)) ** 0.5
    att = jax.random.uniform(k4, (1, 2 * C_OUT, 1, 1), dtype=jnp.float32, minval=-std_a, maxval=std_a)
    b = jnp.zeros((1, C_OUT, 1, 1), dtype=jnp.float32)
    return {"x": x, "edge_index": edge_index, "W": W, "att": att, "b": b}


def _batched_index_select(hs, idx):
    # hs: [B, C, N], idx: [B, N, K] -> [B, C, N, K]
    return jax.vmap(lambda hb, ib: hb[:, ib])(hs, idx)


def reference(x, edge_index, W, att, b):
    # self.nn: 1x1 conv (bias=False) + relu
    h = jnp.einsum('oc,bcnk->bonk', W, x)
    h = jax.nn.relu(h)
    Bx, Cx, Nx = h.shape[0], h.shape[1], h.shape[2]
    # add_self_loops: append each node's own index along neighbor dim
    self_idx = jnp.broadcast_to(
        jnp.arange(Nx, dtype=edge_index.dtype).reshape(1, 1, Nx, 1), (2, Bx, Nx, 1))
    ei = jnp.concatenate([edge_index, self_idx], axis=-1)  # [2, B, N, K+1]
    hs = h[..., 0]  # [B, C, N]
    x_i = _batched_index_select(hs, ei[1])  # [B, C, N, K+1]
    x_j = _batched_index_select(hs, ei[0])  # [B, C, N, K+1]
    alpha = jnp.sum(jnp.concatenate([x_i, x_j], axis=1) * att, axis=1, keepdims=True)
    alpha = jnp.where(alpha >= 0, alpha, 0.2 * alpha)  # leaky_relu(0.2)
    alpha = jax.nn.softmax(alpha, axis=-1)
    # dropout p=0 in eval -> no-op
    x_j = x_j * alpha
    aggr = jnp.sum(x_j, axis=-1, keepdims=True)  # [B, C, N, 1]
    return aggr + b

if __name__ == "__main__":
    import jax
    _d = setup_inputs()
    print(jax.jit(kernel)(*tuple(_d.values())))

</pallas_src>

<mosaic_0001>
#map = affine_map<(d0, d1) -> (0, 0)>
#map1 = affine_map<(d0, d1) -> (0)>
module attributes {stable_mosaic.version = 14 : i64} {
  func.func @_sc_gat(%arg0: i32, %arg1: i32, %arg2: memref<10240x64xi32, #tpu.memory_space<hbm>>, %arg3: memref<10240xf32, #tpu.memory_space<hbm>>, %arg4: memref<10240xf32, #tpu.memory_space<hbm>>, %arg5: memref<327680xi32, #tpu.memory_space<hbm>>, %arg6: memref<327680xi32, #tpu.memory_space<hbm>>, %arg7: memref<10240x128xf32, #tpu.memory_space<hbm>>, %arg8: memref<10240xf32, #tpu.memory_space<vmem>>, %arg9: memref<10240xf32, #tpu.memory_space<vmem>>, %arg10: memref<19456xi32, #tpu.memory_space<vmem>>, %arg11: memref<19456xi32, #tpu.memory_space<vmem>>, %arg12: memref<256x64xi32, #tpu.memory_space<vmem>>, %arg13: memref<256x64xi32, #tpu.memory_space<vmem>>, %arg14: memref<8x64xi32, #tpu.memory_space<vmem>>, %arg15: memref<8x64xi32, #tpu.memory_space<vmem>>, %arg16: memref<256xf32, #tpu.memory_space<vmem>>, %arg17: memref<16xf32, #tpu.memory_space<vmem>>, %arg18: memref<8x128xf32, #tpu.memory_space<vmem>>, %arg19: memref<8x128xf32, #tpu.memory_space<vmem>>, %arg20: memref<!tpu.dma_semaphore, #tpu.memory_space<semaphore_mem>>, %arg21: memref<!tpu.dma_semaphore, #tpu.memory_space<semaphore_mem>>, %arg22: memref<!tpu.dma_semaphore, #tpu.memory_space<semaphore_mem>>, %arg23: memref<!tpu.dma_semaphore, #tpu.memory_space<semaphore_mem>>) attributes {dimension_semantics = [#tpu.dimension_semantics<core_parallel>, #tpu.dimension_semantics<subcore_parallel>], iteration_bounds = array<i64: 2, 16>, scalar_prefetch = 0 : i64, scratch_operands = 16 : i64, tpu.core_type = #tpu.core_type<sc_vector_subcore>, window_params = [{transform_indices = #map}, {transform_indices = #map1}, {transform_indices = #map1}, {transform_indices = #map1}, {transform_indices = #map1}, {transform_indices = #map}]} {
    %eq3A = arith.constant 0 : i32
    %eq3A_0 = arith.cmpi eq, %arg0, %eq3A : i32
    %mul3A = arith.constant 608 : i32
    %mul3A_1 = arith.muli %arg1, %mul3A : i32
    %mul3A_2 = arith.constant 32 : i32
    %mul3A_3 = arith.muli %arg1, %mul3A_2 : i32
    %add3A = arith.constant 9728 : i32
    %add3A_4 = arith.addi %add3A, %mul3A_3 : i32
    %select_n3A = arith.select %eq3A_0, %mul3A_1, %add3A_4 : i32
    %jit3A = arith.constant 76 : i32
    %jit3A_5 = arith.constant 4 : i32
    %select_n3A_6 = arith.select %eq3A_0, %jit3A, %jit3A_5 : i32
    "tpu.region"() ({
      %run_scoped3A = tpu.sem_alloc : memref<!tpu.dma_semaphore, #tpu.memory_space<semaphore_mem>>
      tpu.enqueue_dma source(%arg3 : memref<10240xf32, #tpu.memory_space<hbm>>) target(%arg8 : memref<10240xf32, #tpu.memory_space<vmem>>) target_semaphore(%run_scoped3A : memref<!tpu.dma_semaphore, #tpu.memory_space<semaphore_mem>>)
      tpu.wait_dma2 semaphore(%run_scoped3A : memref<!tpu.dma_semaphore, #tpu.memory_space<semaphore_mem>>) src(%arg3 : memref<10240xf32, #tpu.memory_space<hbm>>) dst(%arg8 : memref<10240xf32, #tpu.memory_space<vmem>>)
      tpu.yield
    }) : () -> ()
    "tpu.region"() ({
      %run_scoped3A = tpu.sem_alloc : memref<!tpu.dma_semaphore, #tpu.memory_space<semaphore_mem>>
      tpu.enqueue_dma source(%arg4 : memref<10240xf32, #tpu.memory_space<hbm>>) target(%arg9 : memref<10240xf32, #tpu.memory_space<vmem>>) target_semaphore(%run_scoped3A : memref<!tpu.dma_semaphore, #tpu.memory_space<semaphore_mem>>)
      tpu.wait_dma2 semaphore(%run_scoped3A : memref<!tpu.dma_semaphore, #tpu.memory_space<semaphore_mem>>) src(%arg4 : memref<10240xf32, #tpu.memory_space<hbm>>) dst(%arg9 : memref<10240xf32, #tpu.memory_space<vmem>>)
      tpu.yield
    }) : () -> ()
    %mul3A_7 = arith.constant 32 : i32
    %mul3A_8 = arith.muli %select_n3A, %mul3A_7 : i32
    %multiple_of3A = tpu.assume_multiple %mul3A_8, 8 : i32
    %convert_element_type3A = arith.extui %eq3A_0 : i1 to i32
    %cond3A = arith.constant 0 : i32
    %cond3A_9 = arith.cmpi ne, %convert_element_type3A, %cond3A : i32
    scf.if %cond3A_9 {
      "tpu.region"() ({
        %run_scoped3A = tpu.sem_alloc : memref<!tpu.dma_semaphore, #tpu.memory_space<semaphore_mem>>
        %dma_start3A_70 = tpu.memref_slice %arg5[%multiple_of3A] : memref<327680xi32, #tpu.memory_space<hbm>> -> memref<19456xi32, #tpu.memory_space<hbm>>
        %dma_start3A_71 = tpu.memref_slice %arg5[%multiple_of3A] : memref<327680xi32, #tpu.memory_space<hbm>> -> memref<19456xi32, #tpu.memory_space<hbm>>
        tpu.enqueue_dma source(%dma_start3A_71 : memref<19456xi32, #tpu.memory_space<hbm>>) target(%arg10 : memref<19456xi32, #tpu.memory_space<vmem>>) target_semaphore(%run_scoped3A : memref<!tpu.dma_semaphore, #tpu.memory_space<semaphore_mem>>)
        %dma_wait3A_72 = tpu.memref_slice %arg5[%multiple_of3A] : memref<327680xi32, #tpu.memory_space<hbm>> -> memref<19456xi32, #tpu.memory_space<hbm>>
        %dma_wait3A_73 = tpu.memref_slice %arg5[%multiple_of3A] : memref<327680xi32, #tpu.memory_space<hbm>> -> memref<19456xi32, #tpu.memory_space<hbm>>
        tpu.wait_dma2 semaphore(%run_scoped3A : memref<!tpu.dma_semaphore, #tpu.memory_space<semaphore_mem>>) src(%dma_wait3A_73 : memref<19456xi32, #tpu.memory_space<hbm>>) dst(%arg10 : memref<19456xi32, #tpu.memory_space<vmem>>)
        tpu.yield
      }) : () -> ()
      "tpu.region"() ({
        %run_scoped3A = tpu.sem_alloc : memref<!tpu.dma_semaphore, #tpu.memory_space<semaphore_mem>>
        %dma_start3A_70 = tpu.memref_slice %arg6[%multiple_of3A] : memref<327680xi32, #tpu.memory_space<hbm>> -> memref<19456xi32, #tpu.memory_space<hbm>>
        %dma_start3A_71 = tpu.memref_slice %arg6[%multiple_of3A] : memref<327680xi32, #tpu.memory_space<hbm>> -> memref<19456xi32, #tpu.memory_space<hbm>>
        tpu.enqueue_dma source(%dma_start3A_71 : memref<19456xi32, #tpu.memory_space<hbm>>) target(%arg11 : memref<19456xi32, #tpu.memory_space<vmem>>) target_semaphore(%run_scoped3A : memref<!tpu.dma_semaphore, #tpu.memory_space<semaphore_mem>>)
        %dma_wait3A_72 = tpu.memref_slice %arg6[%multiple_of3A] : memref<327680xi32, #tpu.memory_space<hbm>> -> memref<19456xi32, #tpu.memory_space<hbm>>
        %dma_wait3A_73 = tpu.memref_slice %arg6[%multiple_of3A] : memref<327680xi32, #tpu.memory_space<hbm>> -> memref<19456xi32, #tpu.memory_space<hbm>>
        tpu.wait_dma2 semaphore(%run_scoped3A : memref<!tpu.dma_semaphore, #tpu.memory_space<semaphore_mem>>) src(%dma_wait3A_73 : memref<19456xi32, #tpu.memory_space<hbm>>) dst(%arg11 : memref<19456xi32, #tpu.memory_space<vmem>>)
        tpu.yield
      }) : () -> ()
    } else {
    }
    %not3A = arith.constant true
    %not3A_10 = arith.xori %eq3A_0, %not3A : i1
    %convert_element_type3A_11 = arith.extui %not3A_10 : i1 to i32
    %cond3A_12 = arith.constant 0 : i32
    %cond3A_13 = arith.cmpi ne, %convert_element_type3A_11, %cond3A_12 : i32
    scf.if %cond3A_13 {
      "tpu.region"() ({
        %run_scoped3A = tpu.sem_alloc : memref<!tpu.dma_semaphore, #tpu.memory_space<semaphore_mem>>
        %dma_start3A_70 = arith.constant 0 : i32
        %dma_start3A_71 = tpu.memref_slice %arg10[%dma_start3A_70] : memref<19456xi32, #tpu.memory_space<vmem>> -> memref<1024xi32, #tpu.memory_space<vmem>>
        %dma_start3A_72 = tpu.memref_slice %arg5[%multiple_of3A] : memref<327680xi32, #tpu.memory_space<hbm>> -> memref<1024xi32, #tpu.memory_space<hbm>>
        %dma_start3A_73 = arith.constant 0 : i32
        %dma_start3A_74 = tpu.memref_slice %arg10[%dma_start3A_73] : memref<19456xi32, #tpu.memory_space<vmem>> -> memref<1024xi32, #tpu.memory_space<vmem>>
        %dma_start3A_75 = tpu.memref_slice %arg5[%multiple_of3A] : memref<327680xi32, #tpu.memory_space<hbm>> -> memref<1024xi32, #tpu.memory_space<hbm>>
        tpu.enqueue_dma source(%dma_start3A_75 : memref<1024xi32, #tpu.memory_space<hbm>>) target(%dma_start3A_74 : memref<1024xi32, #tpu.memory_space<vmem>>) target_semaphore(%run_scoped3A : memref<!tpu.dma_semaphore, #tpu.memory_space<semaphore_mem>>)
        %dma_wait3A_76 = arith.constant 0 : i32
        %dma_wait3A_77 = tpu.memref_slice %arg10[%dma_wait3A_76] : memref<19456xi32, #tpu.memory_space<vmem>> -> memref<1024xi32, #tpu.memory_space<vmem>>
        %dma_wait3A_78 = tpu.memref_slice %arg5[%multiple_of3A] : memref<327680xi32, #tpu.memory_space<hbm>> -> memref<1024xi32, #tpu.memory_space<hbm>>
        %dma_wait3A_79 = arith.constant 0 : i32
        %dma_wait3A_80 = tpu.memref_slice %arg10[%dma_wait3A_79] : memref<19456xi32, #tpu.memory_space<vmem>> -> memref<1024xi32, #tpu.memory_space<vmem>>
        %dma_wait3A_81 = tpu.memref_slice %arg5[%multiple_of3A] : memref<327680xi32, #tpu.memory_space<hbm>> -> memref<1024xi32, #tpu.memory_space<hbm>>
        tpu.wait_dma2 semaphore(%run_scoped3A : memref<!tpu.dma_semaphore, #tpu.memory_space<semaphore_mem>>) src(%dma_wait3A_81 : memref<1024xi32, #tpu.memory_space<hbm>>) dst(%dma_wait3A_80 : memref<1024xi32, #tpu.memory_space<vmem>>)
        tpu.yield
      }) : () -> ()
      "tpu.region"() ({
        %run_scoped3A = tpu.sem_alloc : memref<!tpu.dma_semaphore, #tpu.memory_space<semaphore_mem>>
        %dma_start3A_70 = arith.constant 0 : i32
        %dma_start3A_71 = tpu.memref_slice %arg11[%dma_start3A_70] : memref<19456xi32, #tpu.memory_space<vmem>> -> memref<1024xi32, #tpu.memory_space<vmem>>
        %dma_start3A_72 = tpu.memref_slice %arg6[%multiple_of3A] : memref<327680xi32, #tpu.memory_space<hbm>> -> memref<1024xi32, #tpu.memory_space<hbm>>
        %dma_start3A_73 = arith.constant 0 : i32
        %dma_start3A_74 = tpu.memref_slice %arg11[%dma_start3A_73] : memref<19456xi32, #tpu.memory_space<vmem>> -> memref<1024xi32, #tpu.memory_space<vmem>>
        %dma_start3A_75 = tpu.memref_slice %arg6[%multiple_of3A] : memref<327680xi32, #tpu.memory_space<hbm>> -> memref<1024xi32, #tpu.memory_space<hbm>>
        tpu.enqueue_dma source(%dma_start3A_75 : memref<1024xi32, #tpu.memory_space<hbm>>) target(%dma_start3A_74 : memref<1024xi32, #tpu.memory_space<vmem>>) target_semaphore(%run_scoped3A : memref<!tpu.dma_semaphore, #tpu.memory_space<semaphore_mem>>)
        %dma_wait3A_76 = arith.constant 0 : i32
        %dma_wait3A_77 = tpu.memref_slice %arg11[%dma_wait3A_76] : memref<19456xi32, #tpu.memory_space<vmem>> -> memref<1024xi32, #tpu.memory_space<vmem>>
        %dma_wait3A_78 = tpu.memref_slice %arg6[%multiple_of3A] : memref<327680xi32, #tpu.memory_space<hbm>> -> memref<1024xi32, #tpu.memory_space<hbm>>
        %dma_wait3A_79 = arith.constant 0 : i32
        %dma_wait3A_80 = tpu.memref_slice %arg11[%dma_wait3A_79] : memref<19456xi32, #tpu.memory_space<vmem>> -> memref<1024xi32, #tpu.memory_space<vmem>>
        %dma_wait3A_81 = tpu.memref_slice %arg6[%multiple_of3A] : memref<327680xi32, #tpu.memory_space<hbm>> -> memref<1024xi32, #tpu.memory_space<hbm>>
        tpu.wait_dma2 semaphore(%run_scoped3A : memref<!tpu.dma_semaphore, #tpu.memory_space<semaphore_mem>>) src(%dma_wait3A_81 : memref<1024xi32, #tpu.memory_space<hbm>>) dst(%dma_wait3A_80 : memref<1024xi32, #tpu.memory_space<vmem>>)
        tpu.yield
      }) : () -> ()
    } else {
    }
    %multiple_of3A_14 = arith.constant 0 : i32
    %multiple_of3A_15 = tpu.assume_multiple %multiple_of3A_14, 8 : i32
    %add3A_16 = arith.constant 0 : i32
    %add3A_17 = arith.addi %select_n3A, %add3A_16 : i32
    %multiple_of3A_18 = tpu.assume_multiple %add3A_17, 8 : i32
    %dma_start3A = tpu.memref_slice %arg10[%multiple_of3A_15] : memref<19456xi32, #tpu.memory_space<vmem>> -> memref<256xi32, #tpu.memory_space<vmem>>
    %dma_start3A_19 = arith.constant 0 : i32
    %dma_start3A_20 = arith.constant 0 : i32
    %dma_start3A_21 = tpu.memref_slice %arg2[%dma_start3A_19, %dma_start3A_20] : memref<10240x64xi32, #tpu.memory_space<hbm>> -> memref<10240x64xi32, #tpu.memory_space<hbm>>
    tpu.enqueue_indirect_dma source(%dma_start3A_21 : memref<10240x64xi32, #tpu.memory_space<hbm>>) target(%arg12 : memref<256x64xi32, #tpu.memory_space<vmem>>) offsets(%dma_start3A : memref<256xi32, #tpu.memory_space<vmem>>) semaphore(%arg20 : memref<!tpu.dma_semaphore, #tpu.memory_space<semaphore_mem>>)
    %dma_start3A_22 = arith.constant 0 : i32
    %dma_start3A_23 = tpu.memref_slice %arg2[%multiple_of3A_18, %dma_start3A_22] : memref<10240x64xi32, #tpu.memory_space<hbm>> -> memref<8x64xi32, #tpu.memory_space<hbm>>
    %dma_start3A_24 = arith.constant 0 : i32
    %dma_start3A_25 = tpu.memref_slice %arg2[%multiple_of3A_18, %dma_start3A_24] : memref<10240x64xi32, #tpu.memory_space<hbm>> -> memref<8x64xi32, #tpu.memory_space<hbm>>
    tpu.enqueue_dma source(%dma_start3A_25 : memref<8x64xi32, #tpu.memory_space<hbm>>) target(%arg14 : memref<8x64xi32, #tpu.memory_space<vmem>>) target_semaphore(%arg20 : memref<!tpu.dma_semaphore, #tpu.memory_space<semaphore_mem>>)
    %jit3A_26 = arith.constant 2 : i32
    %div3A = arith.divsi %select_n3A_6, %jit3A_26 : i32
    %sign3A = arith.constant 0 : i32
    %sign3A_27 = arith.cmpi sgt, %select_n3A_6, %sign3A : i32
    %sign3A_28 = arith.extui %sign3A_27 : i1 to i32
    %sign3A_29 = arith.constant 0 : i32
    %sign3A_30 = arith.cmpi slt, %select_n3A_6, %sign3A_29 : i32
    %sign3A_31 = arith.extui %sign3A_30 : i1 to i32
    %sign3A_32 = arith.subi %sign3A_28, %sign3A_31 : i32
    %sign3A_33 = arith.constant 0 : i32
    %sign3A_34 = arith.cmpi sgt, %jit3A_26, %sign3A_33 : i32
    %sign3A_35 = arith.extui %sign3A_34 : i1 to i32
    %sign3A_36 = arith.constant 0 : i32
    %sign3A_37 = arith.cmpi slt, %jit3A_26, %sign3A_36 : i32
    %sign3A_38 = arith.extui %sign3A_37 : i1 to i32
    %sign3A_39 = arith.subi %sign3A_35, %sign3A_38 : i32
    %ne3A = arith.cmpi ne, %sign3A_32, %sign3A_39 : i32
    %rem3A = arith.remsi %select_n3A_6, %jit3A_26 : i32
    %ne3A_40 = arith.constant 0 : i32
    %ne3A_41 = arith.cmpi ne, %rem3A, %ne3A_40 : i32
    %and3A = arith.andi %ne3A, %ne3A_41 : i1
    %sub3A = arith.constant 1 : i32
    %sub3A_42 = arith.subi %div3A, %sub3A : i32
    %select_n3A_43 = arith.select %and3A, %sub3A_42, %div3A : i32
    %while3A = arith.constant 0 : i32
    %while3A_44 = arith.constant 0 : i32
    %while3A_45 = arith.subi %select_n3A_43, %while3A_44 : i32
    %while3A_46 = arith.addi %while3A_44, %while3A_45 : i32
    %while3A_47 = arith.constant 1 : i32
    %while3A_48 = arith.divsi %while3A_45, %while3A_47 : i32
    %while3A_49 = arith.muli %while3A_48, %while3A_47 : i32
    %while3A_50 = arith.addi %while3A_44, %while3A_49 : i32
    %while3A_51 = arith.constant 1 : i32
    scf.for %while3A_70 = %while3A_44 to %while3A_50 step %while3A_51  : i32 {
      %mul3A_71 = arith.constant 2 : i32
      %mul3A_72 = arith.muli %mul3A_71, %while3A_70 : i32
      %add3A_73 = arith.constant 1 : i32
      %add3A_74 = arith.addi %mul3A_72, %add3A_73 : i32
      %mul3A_75 = arith.constant 256 : i32
      %mul3A_76 = arith.muli %add3A_74, %mul3A_75 : i32
      %multiple_of3A_77 = tpu.assume_multiple %mul3A_76, 8 : i32
      %mul3A_78 = arith.constant 8 : i32
      %mul3A_79 = arith.muli %add3A_74, %mul3A_78 : i32
      %add3A_80 = arith.addi %select_n3A, %mul3A_79 : i32
      %multiple_of3A_81 = tpu.assume_multiple %add3A_80, 8 : i32
      %dma_start3A_82 = tpu.memref_slice %arg10[%multiple_of3A_77] : memref<19456xi32, #tpu.memory_space<vmem>> -> memref<256xi32, #tpu.memory_space<vmem>>
      %dma_start3A_83 = arith.constant 0 : i32
      %dma_start3A_84 = arith.constant 0 : i32
      %dma_start3A_85 = tpu.memref_slice %arg2[%dma_start3A_83, %dma_start3A_84] : memref<10240x64xi32, #tpu.memory_space<hbm>> -> memref<10240x64xi32, #tpu.memory_space<hbm>>
      tpu.enqueue_indirect_dma source(%dma_start3A_85 : memref<10240x64xi32, #tpu.memory_space<hbm>>) target(%arg13 : memref<256x64xi32, #tpu.memory_space<vmem>>) offsets(%dma_start3A_82 : memref<256xi32, #tpu.memory_space<vmem>>) semaphore(%arg21 : memref<!tpu.dma_semaphore, #tpu.memory_space<semaphore_mem>>)
      %dma_start3A_86 = arith.constant 0 : i32
      %dma_start3A_87 = tpu.memref_slice %arg2[%multiple_of3A_81, %dma_start3A_86] : memref<10240x64xi32, #tpu.memory_space<hbm>> -> memref<8x64xi32, #tpu.memory_space<hbm>>
      %dma_start3A_88 = arith.constant 0 : i32
      %dma_start3A_89 = tpu.memref_slice %arg2[%multiple_of3A_81, %dma_start3A_88] : memref<10240x64xi32, #tpu.memory_space<hbm>> -> memref<8x64xi32, #tpu.memory_space<hbm>>
      tpu.enqueue_dma source(%dma_start3A_89 : memref<8x64xi32, #tpu.memory_space<hbm>>) target(%arg15 : memref<8x64xi32, #tpu.memory_space<vmem>>) target_semaphore(%arg21 : memref<!tpu.dma_semaphore, #tpu.memory_space<semaphore_mem>>)
      %mul3A_90 = arith.constant 256 : i32
      %mul3A_91 = arith.muli %mul3A_72, %mul3A_90 : i32
      %multiple_of3A_92 = tpu.assume_multiple %mul3A_91, 8 : i32
      %mul3A_93 = arith.constant 8 : i32
      %mul3A_94 = arith.muli %mul3A_72, %mul3A_93 : i32
      %add3A_95 = arith.addi %select_n3A, %mul3A_94 : i32
      %multiple_of3A_96 = tpu.assume_multiple %add3A_95, 8 : i32
      %dma_wait3A_97 = tpu.memref_slice %arg10[%multiple_of3A_92] : memref<19456xi32, #tpu.memory_space<vmem>> -> memref<256xi32, #tpu.memory_space<vmem>>
      %dma_wait3A_98 = arith.constant 0 : i32
      %dma_wait3A_99 = arith.constant 0 : i32
      %dma_wait3A_100 = tpu.memref_slice %arg2[%dma_wait3A_98, %dma_wait3A_99] : memref<10240x64xi32, #tpu.memory_space<hbm>> -> memref<10240x64xi32, #tpu.memory_space<hbm>>
      tpu.wait_indirect_dma semaphore(%arg20 : memref<!tpu.dma_semaphore, #tpu.memory_space<semaphore_mem>>) src(%dma_wait3A_100 : memref<10240x64xi32, #tpu.memory_space<hbm>>) dst(%arg12 : memref<256x64xi32, #tpu.memory_space<vmem>>)
      %dma_wait3A_101 = arith.constant 0 : i32
      %dma_wait3A_102 = tpu.memref_slice %arg2[%multiple_of3A_96, %dma_wait3A_101] : memref<10240x64xi32, #tpu.memory_space<hbm>> -> memref<8x64xi32, #tpu.memory_space<hbm>>
      %dma_wait3A_103 = arith.constant 0 : i32
      %dma_wait3A_104 = tpu.memref_slice %arg2[%multiple_of3A_96, %dma_wait3A_103] : memref<10240x64xi32, #tpu.memory_space<hbm>> -> memref<8x64xi32, #tpu.memory_space<hbm>>
      tpu.wait_dma2 semaphore(%arg20 : memref<!tpu.dma_semaphore, #tpu.memory_space<semaphore_mem>>) src(%dma_wait3A_104 : memref<8x64xi32, #tpu.memory_space<hbm>>) dst(%arg14 : memref<8x64xi32, #tpu.memory_space<vmem>>)
      %gt3A = arith.constant 0 : i32
      %gt3A_105 = arith.cmpi sgt, %while3A_70, %gt3A : i32
      %convert_element_type3A_106 = arith.extui %gt3A_105 : i1 to i32
      %cond3A_107 = arith.constant 0 : i32
      %cond3A_108 = arith.cmpi ne, %convert_element_type3A_106, %cond3A_107 : i32
      scf.if %cond3A_108 {
        %mul3A_166 = arith.constant 8 : i32
        %mul3A_167 = arith.muli %mul3A_72, %mul3A_166 : i32
        %add3A_168 = arith.addi %select_n3A, %mul3A_167 : i32
        %dma_wait3A_169 = arith.constant 0 : i32
        %dma_wait3A_170 = tpu.memref_slice %arg7[%add3A_168, %dma_wait3A_169] : memref<10240x128xf32, #tpu.memory_space<hbm>> -> memref<8x128xf32, #tpu.memory_space<hbm>>
        %dma_wait3A_171 = arith.constant 0 : i32
        %dma_wait3A_172 = tpu.memref_slice %arg7[%add3A_168, %dma_wait3A_171] : memref<10240x128xf32, #tpu.memory_space<hbm>> -> memref<8x128xf32, #tpu.memory_space<hbm>>
        tpu.wait_dma2 semaphore(%arg22 : memref<!tpu.dma_semaphore, #tpu.memory_space<semaphore_mem>>) src(%arg18 : memref<8x128xf32, #tpu.memory_space<vmem>>) dst(%dma_wait3A_172 : memref<8x128xf32, #tpu.memory_space<hbm>>)
      } else {
      }
      %iota3A = tpu.iota {dimensions = array<i32: 0>} : vector<16xi32>
      %eq3A_109 = arith.constant 0 : i32
      %eq3A_110 = vector.broadcast %eq3A_109 : i32 to vector<16xi32>
      %eq3A_111 = arith.cmpi eq, %iota3A, %eq3A_110 : vector<16xi32>
      %scan3A = arith.constant 0 : i32
      %scan3A_112 = arith.constant 0 : i32
      %scan3A_113 = arith.constant 8 : i32
      %scan3A_114 = arith.addi %scan3A_112, %scan3A_113 : i32
      %scan3A_115 = arith.constant 1 : i32
      scf.for %scan3A_166 = %scan3A_112 to %scan3A_114 step %scan3A_115  : i32 {
        %mul3A_167 = arith.constant 8 : i32
        %mul3A_168 = arith.muli %mul3A_72, %mul3A_167 : i32
        %add3A_169 = arith.addi %mul3A_168, %scan3A_166 : i32
        %mul3A_170 = arith.constant 32 : i32
        %mul3A_171 = arith.muli %add3A_169, %mul3A_170 : i32
        %mul3A_172 = arith.constant 32 : i32
        %mul3A_173 = arith.muli %scan3A_166, %mul3A_172 : i32
        %mul3A_174 = arith.constant 8 : i32
        %mul3A_175 = arith.muli %mul3A_72, %mul3A_174 : i32
        %add3A_176 = arith.addi %select_n3A, %mul3A_175 : i32
        %add3A_177 = arith.addi %add3A_176, %scan3A_166 : i32
        %add3A_178 = arith.constant 0 : i32
        %add3A_179 = arith.addi %mul3A_171, %add3A_178 : i32
        %add3A_180 = vector.broadcast %add3A_179 : i32 to vector<16xi32>
        %add3A_181 = arith.addi %add3A_180, %iota3A : vector<16xi32>
        %gather3A = tpu.vector_load_idx %arg11[%add3A_181] : memref<19456xi32, #tpu.memory_space<vmem>>[vector<16xi32>], vector<16xi32>,
        %gather3A_182 = tpu.vector_load_idx %arg10[%add3A_181] : memref<19456xi32, #tpu.memory_space<vmem>>[vector<16xi32>], vector<16xi32>,
        %gather3A_183 = tpu.vector_load_idx %arg8[%gather3A] : memref<10240xf32, #tpu.memory_space<vmem>>[vector<16xi32>], vector<16xf32>,
        %gather3A_184 = tpu.vector_load_idx %arg9[%gather3A_182] : memref<10240xf32, #tpu.memory_space<vmem>>[vector<16xi32>], vector<16xf32>,
        %add3A_185 = arith.addf %gather3A_183, %gather3A_184 : vector<16xf32>
        %ge3A = arith.constant 0.000000e+00 : f32
        %ge3A_186 = vector.broadcast %ge3A : f32 to vector<16xf32>
        %ge3A_187 = arith.cmpf oge, %add3A_185, %ge3A_186 : vector<16xf32>
        %mul3A_188 = arith.constant 2.000000e-01 : f32
        %mul3A_189 = vector.broadcast %mul3A_188 : f32 to vector<16xf32>
        %mul3A_190 = arith.mulf %add3A_185, %mul3A_189 : vector<16xf32>
        %select_n3A_191 = arith.select %ge3A_187, %add3A_185, %mul3A_190 : vector<16xi1>, vector<16xf32>
        %add3A_192 = arith.constant 16 : i32
        %add3A_193 = arith.addi %mul3A_171, %add3A_192 : i32
        %add3A_194 = vector.broadcast %add3A_193 : i32 to vector<16xi32>
        %add3A_195 = arith.addi %add3A_194, %iota3A : vector<16xi32>
        %gather3A_196 = tpu.vector_load_idx %arg11[%add3A_195] : memref<19456xi32, #tpu.memory_space<vmem>>[vector<16xi32>], vector<16xi32>,
        %gather3A_197 = tpu.vector_load_idx %arg10[%add3A_195] : memref<19456xi32, #tpu.memory_space<vmem>>[vector<16xi32>], vector<16xi32>,
        %gather3A_198 = tpu.vector_load_idx %arg8[%gather3A_196] : memref<10240xf32, #tpu.memory_space<vmem>>[vector<16xi32>], vector<16xf32>,
        %gather3A_199 = tpu.vector_load_idx %arg9[%gather3A_197] : memref<10240xf32, #tpu.memory_space<vmem>>[vector<16xi32>], vector<16xf32>,
        %add3A_200 = arith.addf %gather3A_198, %gather3A_199 : vector<16xf32>
        %ge3A_201 = arith.constant 0.000000e+00 : f32
        %ge3A_202 = vector.broadcast %ge3A_201 : f32 to vector<16xf32>
        %ge3A_203 = arith.cmpf oge, %add3A_200, %ge3A_202 : vector<16xf32>
        %mul3A_204 = arith.constant 2.000000e-01 : f32
        %mul3A_205 = vector.broadcast %mul3A_204 : f32 to vector<16xf32>
        %mul3A_206 = arith.mulf %add3A_200, %mul3A_205 : vector<16xf32>
        %select_n3A_207 = arith.select %ge3A_203, %add3A_200, %mul3A_206 : vector<16xi1>, vector<16xf32>
        %broadcast_in_dim3A = vector.broadcast %add3A_177 : i32 to vector<16xi32>
        %gather3A_208 = tpu.vector_load_idx %arg8[%broadcast_in_dim3A] : memref<10240xf32, #tpu.memory_space<vmem>>[vector<16xi32>], vector<16xf32>,
        %gather3A_209 = tpu.vector_load_idx %arg9[%broadcast_in_dim3A] : memref<10240xf32, #tpu.memory_space<vmem>>[vector<16xi32>], vector<16xf32>,
        %add3A_210 = arith.addf %gather3A_208, %gather3A_209 : vector<16xf32>
        %ge3A_211 = arith.constant 0.000000e+00 : f32
        %ge3A_212 = vector.broadcast %ge3A_211 : f32 to vector<16xf32>
        %ge3A_213 = arith.cmpf oge, %add3A_210, %ge3A_212 : vector<16xf32>
        %mul3A_214 = arith.constant 2.000000e-01 : f32
        %mul3A_215 = vector.broadcast %mul3A_214 : f32 to vector<16xf32>
        %mul3A_216 = arith.mulf %add3A_210, %mul3A_215 : vector<16xf32>
        %select_n3A_217 = arith.select %ge3A_213, %add3A_210, %mul3A_216 : vector<16xi1>, vector<16xf32>
        %jit3A_218 = arith.constant -1.000000e+30 : f32
        %broadcast_in_dim3A_219 = vector.broadcast %jit3A_218 : f32 to vector<16xf32>
        %select_n3A_220 = arith.select %eq3A_111, %select_n3A_217, %broadcast_in_dim3A_219 : vector<16xi1>, vector<16xf32>
        %max3A = arith.maximumf %select_n3A_191, %select_n3A_207 : vector<16xf32>
        %max3A_221 = arith.maximumf %max3A, %select_n3A_220 : vector<16xf32>
        %reduce_max3A = arith.constant true
        %reduce_max3A_222 = vector.broadcast %reduce_max3A : i1 to vector<16xi1>
        %reduce_max3A_223 = tpu.scan <max>, %max3A_221 masked %reduce_max3A_222 : vector<16xf32>, vector<16xi1> -> vector<16xf32>
        %reduce_max3A_224 = vector.extract %reduce_max3A_223[15] : f32 from vector<16xf32>
        %sub3A_225 = vector.broadcast %reduce_max3A_224 : f32 to vector<16xf32>
        %sub3A_226 = arith.subf %select_n3A_191, %sub3A_225 : vector<16xf32>
        %exp3A = math.exp %sub3A_226 : vector<16xf32>
        %sub3A_227 = vector.broadcast %reduce_max3A_224 : f32 to vector<16xf32>
        %sub3A_228 = arith.subf %select_n3A_207, %sub3A_227 : vector<16xf32>
        %exp3A_229 = math.exp %sub3A_228 : vector<16xf32>
        %sub3A_230 = vector.broadcast %reduce_max3A_224 : f32 to vector<16xf32>
        %sub3A_231 = arith.subf %select_n3A_220, %sub3A_230 : vector<16xf32>
        %exp3A_232 = math.exp %sub3A_231 : vector<16xf32>
        %add3A_233 = arith.addf %exp3A, %exp3A_229 : vector<16xf32>
        %add3A_234 = arith.addf %add3A_233, %exp3A_232 : vector<16xf32>
        %reduce_sum3A = arith.constant true
        %reduce_sum3A_235 = vector.broadcast %reduce_sum3A : i1 to vector<16xi1>
        %reduce_sum3A_236 = tpu.scan <sum>, %add3A_234 masked %reduce_sum3A_235 : vector<16xf32>, vector<16xi1> -> vector<16xf32>
        %reduce_sum3A_237 = vector.extract %reduce_sum3A_236[15] : f32 from vector<16xf32>
        %broadcast_in_dim3A_238 = arith.constant 1.000000e+00 : f32
        %broadcast_in_dim3A_239 = vector.broadcast %broadcast_in_dim3A_238 : f32 to vector<16xf32>
        %broadcast_in_dim3A_240 = vector.broadcast %reduce_sum3A_237 : f32 to vector<16xf32>
        %div3A_241 = arith.divf %broadcast_in_dim3A_239, %broadcast_in_dim3A_240 : vector<16xf32>
        %add3A_242 = vector.broadcast %mul3A_173 : i32 to vector<16xi32>
        %add3A_243 = arith.addi %add3A_242, %iota3A : vector<16xi32>
        %mul3A_244 = arith.mulf %exp3A, %div3A_241 : vector<16xf32>
        tpu.vector_store_idx %arg16[%add3A_243], %mul3A_244 : memref<256xf32, #tpu.memory_space<vmem>>[vector<16xi32>], vector<16xf32>,
        %add3A_245 = arith.constant 16 : i32
        %add3A_246 = arith.addi %mul3A_173, %add3A_245 : i32
        %add3A_247 = vector.broadcast %add3A_246 : i32 to vector<16xi32>
        %add3A_248 = arith.addi %add3A_247, %iota3A : vector<16xi32>
        %mul3A_249 = arith.mulf %exp3A_229, %div3A_241 : vector<16xf32>
        tpu.vector_store_idx %arg16[%add3A_248], %mul3A_249 : memref<256xf32, #tpu.memory_space<vmem>>[vector<16xi32>], vector<16xf32>,
        %broadcast_in_dim3A_250 = vector.broadcast %scan3A_166 : i32 to vector<16xi32>
        %mul3A_251 = arith.mulf %exp3A_232, %div3A_241 : vector<16xf32>
        tpu.vector_store_idx %arg17[%broadcast_in_dim3A_250], %mul3A_251 masked %eq3A_111 : memref<16xf32, #tpu.memory_space<vmem>>[vector<16xi32>], vector<16xf32>, vector<16xi1>
        %broadcast_in_dim3A_252 = arith.constant 0.000000e+00 : f32
        %broadcast_in_dim3A_253 = vector.broadcast %broadcast_in_dim3A_252 : f32 to vector<16xf32>
        %broadcast_in_dim3A_254 = arith.constant 0.000000e+00 : f32
        %broadcast_in_dim3A_255 = vector.broadcast %broadcast_in_dim3A_254 : f32 to vector<16xf32>
        %broadcast_in_dim3A_256 = arith.constant 0.000000e+00 : f32
        %broadcast_in_dim3A_257 = vector.broadcast %broadcast_in_dim3A_256 : f32 to vector<16xf32>
        %broadcast_in_dim3A_258 = arith.constant 0.000000e+00 : f32
        %broadcast_in_dim3A_259 = vector.broadcast %broadcast_in_dim3A_258 : f32 to vector<16xf32>
        %scan3A_260 = arith.constant 0 : i32
        %scan3A_261 = arith.constant 32 : i32
        %scan3A_262 = arith.addi %scan3A_260, %scan3A_261 : i32
        %scan3A_263 = arith.constant 1 : i32
        %scan3A_264:8 = scf.for %scan3A_369 = %scan3A_260 to %scan3A_262 step %scan3A_263 iter_args(%scan3A_370 = %broadcast_in_dim3A_253, %scan3A_371 = %broadcast_in_dim3A_255, %scan3A_372 = %broadcast_in_dim3A_257, %scan3A_373 = %broadcast_in_dim3A_259, %scan3A_374 = %broadcast_in_dim3A_253, %scan3A_375 = %broadcast_in_dim3A_255, %scan3A_376 = %broadcast_in_dim3A_257, %scan3A_377 = %broadcast_in_dim3A_259) -> (vector<16xf32>, vector<16xf32>, vector<16xf32>, vector<16xf32>, vector<16xf32>, vector<16xf32>, vector<16xf32>, vector<16xf32>)  : i32 {
          %add3A_378 = arith.addi %mul3A_173, %scan3A_369 : i32
          %broadcast_in_dim3A_379 = vector.broadcast %add3A_378 : i32 to vector<16xi32>
          %gather3A_380 = tpu.vector_load_idx %arg16[%broadcast_in_dim3A_379] : memref<256xf32, #tpu.memory_space<vmem>>[vector<16xi32>], vector<16xf32>,
          %add3A_381 = arith.constant 0 : i32
          %add3A_382 = vector.broadcast %add3A_381 : i32 to vector<16xi32>
          %add3A_383 = arith.addi %iota3A, %add3A_382 : vector<16xi32>
          %gather3A_384 = tpu.vector_load_idx %arg12[%broadcast_in_dim3A_379, %add3A_383] : memref<256x64xi32, #tpu.memory_space<vmem>>[vector<16xi32>, vector<16xi32>], vector<16xi32>,
          %bitcast3A_385 = vector.bitcast %gather3A_384 : vector<16xi32> to vector<32xbf16>
          %unpack3A_386 = tpu.unpack_subelements %bitcast3A_385, 0 {pack_format = #tpu.pack_format<interleaved>} : vector<32xbf16> -> vector<16xf32>
          %unpack3A_387 = tpu.unpack_subelements %bitcast3A_385, 1 {pack_format = #tpu.pack_format<interleaved>} : vector<32xbf16> -> vector<16xf32>
          %mul3A_388 = arith.mulf %gather3A_380, %unpack3A_386 : vector<16xf32>
          %add3A_389 = arith.addf %scan3A_370, %mul3A_388 : vector<16xf32>
          %mul3A_390 = arith.mulf %gather3A_380, %unpack3A_387 : vector<16xf32>
          %add3A_391 = arith.addf %scan3A_374, %mul3A_390 : vector<16xf32>
          %add3A_392 = arith.constant 16 : i32
          %add3A_393 = vector.broadcast %add3A_392 : i32 to vector<16xi32>
          %add3A_394 = arith.addi %iota3A, %add3A_393 : vector<16xi32>
          %gather3A_395 = tpu.vector_load_idx %arg12[%broadcast_in_dim3A_379, %add3A_394] : memref<256x64xi32, #tpu.memory_space<vmem>>[vector<16xi32>, vector<16xi32>], vector<16xi32>,
          %bitcast3A_396 = vector.bitcast %gather3A_395 : vector<16xi32> to vector<32xbf16>
          %unpack3A_397 = tpu.unpack_subelements %bitcast3A_396, 0 {pack_format = #tpu.pack_format<interleaved>} : vector<32xbf16> -> vector<16xf32>
          %unpack3A_398 = tpu.unpack_subelements %bitcast3A_396, 1 {pack_format = #tpu.pack_format<interleaved>} : vector<32xbf16> -> vector<16xf32>
          %mul3A_399 = arith.mulf %gather3A_380, %unpack3A_397 : vector<16xf32>
          %add3A_400 = arith.addf %scan3A_371, %mul3A_399 : vector<16xf32>
          %mul3A_401 = arith.mulf %gather3A_380, %unpack3A_398 : vector<16xf32>
          %add3A_402 = arith.addf %scan3A_375, %mul3A_401 : vector<16xf32>
          %add3A_403 = arith.constant 32 : i32
          %add3A_404 = vector.broadcast %add3A_403 : i32 to vector<16xi32>
          %add3A_405 = arith.addi %iota3A, %add3A_404 : vector<16xi32>
          %gather3A_406 = tpu.vector_load_idx %arg12[%broadcast_in_dim3A_379, %add3A_405] : memref<256x64xi32, #tpu.memory_space<vmem>>[vector<16xi32>, vector<16xi32>], vector<16xi32>,
          %bitcast3A_407 = vector.bitcast %gather3A_406 : vector<16xi32> to vector<32xbf16>
          %unpack3A_408 = tpu.unpack_subelements %bitcast3A_407, 0 {pack_format = #tpu.pack_format<interleaved>} : vector<32xbf16> -> vector<16xf32>
          %unpack3A_409 = tpu.unpack_subelements %bitcast3A_407, 1 {pack_format = #tpu.pack_format<interleaved>} : vector<32xbf16> -> vector<16xf32>
          %mul3A_410 = arith.mulf %gather3A_380, %unpack3A_408 : vector<16xf32>
          %add3A_411 = arith.addf %scan3A_372, %mul3A_410 : vector<16xf32>
          %mul3A_412 = arith.mulf %gather3A_380, %unpack3A_409 : vector<16xf32>
          %add3A_413 = arith.addf %scan3A_376, %mul3A_412 : vector<16xf32>
          %add3A_414 = arith.constant 48 : i32
          %add3A_415 = vector.broadcast %add3A_414 : i32 to vector<16xi32>
          %add3A_416 = arith.addi %iota3A, %add3A_415 : vector<16xi32>
          %gather3A_417 = tpu.vector_load_idx %arg12[%broadcast_in_dim3A_379, %add3A_416] : memref<256x64xi32, #tpu.memory_space<vmem>>[vector<16xi32>, vector<16xi32>], vector<16xi32>,
          %bitcast3A_418 = vector.bitcast %gather3A_417 : vector<16xi32> to vector<32xbf16>
          %unpack3A_419 = tpu.unpack_subelements %bitcast3A_418, 0 {pack_format = #tpu.pack_format<interleaved>} : vector<32xbf16> -> vector<16xf32>
          %unpack3A_420 = tpu.unpack_subelements %bitcast3A_418, 1 {pack_format = #tpu.pack_format<interleaved>} : vector<32xbf16> -> vector<16xf32>
          %mul3A_421 = arith.mulf %gather3A_380, %unpack3A_419 : vector<16xf32>
          %add3A_422 = arith.addf %scan3A_373, %mul3A_421 : vector<16xf32>
          %mul3A_423 = arith.mulf %gather3A_380, %unpack3A_420 : vector<16xf32>
          %add3A_424 = arith.addf %scan3A_377, %mul3A_423 : vector<16xf32>
          scf.yield %add3A_389, %add3A_400, %add3A_411, %add3A_422, %add3A_391, %add3A_402, %add3A_413, %add3A_424 : vector<16xf32>, vector<16xf32>, vector<16xf32>, vector<16xf32>, vector<16xf32>, vector<16xf32>, vector<16xf32>, vector<16xf32>
        }
        %scan3A_265 = arith.constant 32 : i32
        %gather3A_266 = tpu.vector_load_idx %arg17[%broadcast_in_dim3A_250] : memref<16xf32, #tpu.memory_space<vmem>>[vector<16xi32>], vector<16xf32>,
        %add3A_267 = arith.constant 0 : i32
        %add3A_268 = vector.broadcast %add3A_267 : i32 to vector<16xi32>
        %add3A_269 = arith.addi %iota3A, %add3A_268 : vector<16xi32>
        %gather3A_270 = tpu.vector_load_idx %arg14[%broadcast_in_dim3A_250, %add3A_269] : memref<8x64xi32, #tpu.memory_space<vmem>>[vector<16xi32>, vector<16xi32>], vector<16xi32>,
        %bitcast3A = vector.bitcast %gather3A_270 : vector<16xi32> to vector<32xbf16>
        %unpack3A = tpu.unpack_subelements %bitcast3A, 0 {pack_format = #tpu.pack_format<interleaved>} : vector<32xbf16> -> vector<16xf32>
        %unpack3A_271 = tpu.unpack_subelements %bitcast3A, 1 {pack_format = #tpu.pack_format<interleaved>} : vector<32xbf16> -> vector<16xf32>
        %mul3A_272 = arith.mulf %gather3A_266, %unpack3A : vector<16xf32>
        %add3A_273 = arith.addf %scan3A_264#0, %mul3A_272 : vector<16xf32>
        %mul3A_274 = arith.mulf %gather3A_266, %unpack3A_271 : vector<16xf32>
        %add3A_275 = arith.addf %scan3A_264#4, %mul3A_274 : vector<16xf32>
        %add3A_276 = arith.constant 16 : i32
        %add3A_277 = vector.broadcast %add3A_276 : i32 to vector<16xi32>
        %add3A_278 = arith.addi %iota3A, %add3A_277 : vector<16xi32>
        %gather3A_279 = tpu.vector_load_idx %arg14[%broadcast_in_dim3A_250, %add3A_278] : memref<8x64xi32, #tpu.memory_space<vmem>>[vector<16xi32>, vector<16xi32>], vector<16xi32>,
        %bitcast3A_280 = vector.bitcast %gather3A_279 : vector<16xi32> to vector<32xbf16>
        %unpack3A_281 = tpu.unpack_subelements %bitcast3A_280, 0 {pack_format = #tpu.pack_format<interleaved>} : vector<32xbf16> -> vector<16xf32>
        %unpack3A_282 = tpu.unpack_subelements %bitcast3A_280, 1 {pack_format = #tpu.pack_format<interleaved>} : vector<32xbf16> -> vector<16xf32>
        %mul3A_283 = arith.mulf %gather3A_266, %unpack3A_281 : vector<16xf32>
        %add3A_284 = arith.addf %scan3A_264#1, %mul3A_283 : vector<16xf32>
        %mul3A_285 = arith.mulf %gather3A_266, %unpack3A_282 : vector<16xf32>
        %add3A_286 = arith.addf %scan3A_264#5, %mul3A_285 : vector<16xf32>
        %add3A_287 = arith.constant 32 : i32
        %add3A_288 = vector.broadcast %add3A_287 : i32 to vector<16xi32>
        %add3A_289 = arith.addi %iota3A, %add3A_288 : vector<16xi32>
        %gather3A_290 = tpu.vector_load_idx %arg14[%broadcast_in_dim3A_250, %add3A_289] : memref<8x64xi32, #tpu.memory_space<vmem>>[vector<16xi32>, vector<16xi32>], vector<16xi32>,
        %bitcast3A_291 = vector.bitcast %gather3A_290 : vector<16xi32> to vector<32xbf16>
        %unpack3A_292 = tpu.unpack_subelements %bitcast3A_291, 0 {pack_format = #tpu.pack_format<interleaved>} : vector<32xbf16> -> vector<16xf32>
        %unpack3A_293 = tpu.unpack_subelements %bitcast3A_291, 1 {pack_format = #tpu.pack_format<interleaved>} : vector<32xbf16> -> vector<16xf32>
        %mul3A_294 = arith.mulf %gather3A_266, %unpack3A_292 : vector<16xf32>
        %add3A_295 = arith.addf %scan3A_264#2, %mul3A_294 : vector<16xf32>
        %mul3A_296 = arith.mulf %gather3A_266, %unpack3A_293 : vector<16xf32>
        %add3A_297 = arith.addf %scan3A_264#6, %mul3A_296 : vector<16xf32>
        %add3A_298 = arith.constant 48 : i32
        %add3A_299 = vector.broadcast %add3A_298 : i32 to vector<16xi32>
        %add3A_300 = arith.addi %iota3A, %add3A_299 : vector<16xi32>
        %gather3A_301 = tpu.vector_load_idx %arg14[%broadcast_in_dim3A_250, %add3A_300] : memref<8x64xi32, #tpu.memory_space<vmem>>[vector<16xi32>, vector<16xi32>], vector<16xi32>,
        %bitcast3A_302 = vector.bitcast %gather3A_301 : vector<16xi32> to vector<32xbf16>
        %unpack3A_303 = tpu.unpack_subelements %bitcast3A_302, 0 {pack_format = #tpu.pack_format<interleaved>} : vector<32xbf16> -> vector<16xf32>
        %unpack3A_304 = tpu.unpack_subelements %bitcast3A_302, 1 {pack_format = #tpu.pack_format<interleaved>} : vector<32xbf16> -> vector<16xf32>
        %mul3A_305 = arith.mulf %gather3A_266, %unpack3A_303 : vector<16xf32>
        %add3A_306 = arith.addf %scan3A_264#3, %mul3A_305 : vector<16xf32>
        %mul3A_307 = arith.mulf %gather3A_266, %unpack3A_304 : vector<16xf32>
        %add3A_308 = arith.addf %scan3A_264#7, %mul3A_307 : vector<16xf32>
        %mul3A_309 = arith.constant 2 : i32
        %mul3A_310 = vector.broadcast %mul3A_309 : i32 to vector<16xi32>
        %mul3A_311 = arith.muli %mul3A_310, %iota3A : vector<16xi32>
        %add3A_312 = arith.constant 0 : i32
        %add3A_313 = vector.broadcast %add3A_312 : i32 to vector<16xi32>
        %add3A_314 = arith.addi %mul3A_311, %add3A_313 : vector<16xi32>
        tpu.vector_store_idx %arg18[%broadcast_in_dim3A_250, %add3A_314], %add3A_273 : memref<8x128xf32, #tpu.memory_space<vmem>>[vector<16xi32>, vector<16xi32>], vector<16xf32>,
        %mul3A_315 = arith.constant 2 : i32
        %mul3A_316 = vector.broadcast %mul3A_315 : i32 to vector<16xi32>
        %mul3A_317 = arith.muli %mul3A_316, %iota3A : vector<16xi32>
        %add3A_318 = arith.constant 0 : i32
        %add3A_319 = vector.broadcast %add3A_318 : i32 to vector<16xi32>
        %add3A_320 = arith.addi %mul3A_317, %add3A_319 : vector<16xi32>
        %add3A_321 = arith.constant 1 : i32
        %add3A_322 = vector.broadcast %add3A_321 : i32 to vector<16xi32>
        %add3A_323 = arith.addi %add3A_320, %add3A_322 : vector<16xi32>
        tpu.vector_store_idx %arg18[%broadcast_in_dim3A_250, %add3A_323], %add3A_275 : memref<8x128xf32, #tpu.memory_space<vmem>>[vector<16xi32>, vector<16xi32>], vector<16xf32>,
        %mul3A_324 = arith.constant 2 : i32
        %mul3A_325 = vector.broadcast %mul3A_324 : i32 to vector<16xi32>
        %mul3A_326 = arith.muli %mul3A_325, %iota3A : vector<16xi32>
        %add3A_327 = arith.constant 32 : i32
        %add3A_328 = vector.broadcast %add3A_327 : i32 to vector<16xi32>
        %add3A_329 = arith.addi %mul3A_326, %add3A_328 : vector<16xi32>
        tpu.vector_store_idx %arg18[%broadcast_in_dim3A_250, %add3A_329], %add3A_284 : memref<8x128xf32, #tpu.memory_space<vmem>>[vector<16xi32>, vector<16xi32>], vector<16xf32>,
        %mul3A_330 = arith.constant 2 : i32
        %mul3A_331 = vector.broadcast %mul3A_330 : i32 to vector<16xi32>
        %mul3A_332 = arith.muli %mul3A_331, %iota3A : vector<16xi32>
        %add3A_333 = arith.constant 32 : i32
        %add3A_334 = vector.broadcast %add3A_333 : i32 to vector<16xi32>
        %add3A_335 = arith.addi %mul3A_332, %add3A_334 : vector<16xi32>
        %add3A_336 = arith.constant 1 : i32
        %add3A_337 = vector.broadcast %add3A_336 : i32 to vector<16xi32>
        %add3A_338 = arith.addi %add3A_335, %add3A_337 : vector<16xi32>
        tpu.vector_store_idx %arg18[%broadcast_in_dim3A_250, %add3A_338], %add3A_286 : memref<8x128xf32, #tpu.memory_space<vmem>>[vector<16xi32>, vector<16xi32>], vector<16xf32>,
        %mul3A_339 = arith.constant 2 : i32
        %mul3A_340 = vector.broadcast %mul3A_339 : i32 to vector<16xi32>
        %mul3A_341 = arith.muli %mul3A_340, %iota3A : vector<16xi32>
        %add3A_342 = arith.constant 64 : i32
        %add3A_343 = vector.broadcast %add3A_342 : i32 to vector<16xi32>
        %add3A_344 = arith.addi %mul3A_341, %add3A_343 : vector<16xi32>
        tpu.vector_store_idx %arg18[%broadcast_in_dim3A_250, %add3A_344], %add3A_295 : memref<8x128xf32, #tpu.memory_space<vmem>>[vector<16xi32>, vector<16xi32>], vector<16xf32>,
        %mul3A_345 = arith.constant 2 : i32
        %mul3A_346 = vector.broadcast %mul3A_345 : i32 to vector<16xi32>
        %mul3A_347 = arith.muli %mul3A_346, %iota3A : vector<16xi32>
        %add3A_348 = arith.constant 64 : i32
        %add3A_349 = vector.broadcast %add3A_348 : i32 to vector<16xi32>
        %add3A_350 = arith.addi %mul3A_347, %add3A_349 : vector<16xi32>
        %add3A_351 = arith.constant 1 : i32
        %add3A_352 = vector.broadcast %add3A_351 : i32 to vector<16xi32>
        %add3A_353 = arith.addi %add3A_350, %add3A_352 : vector<16xi32>
        tpu.vector_store_idx %arg18[%broadcast_in_dim3A_250, %add3A_353], %add3A_297 : memref<8x128xf32, #tpu.memory_space<vmem>>[vector<16xi32>, vector<16xi32>], vector<16xf32>,
        %mul3A_354 = arith.constant 2 : i32
        %mul3A_355 = vector.broadcast %mul3A_354 : i32 to vector<16xi32>
        %mul3A_356 = arith.muli %mul3A_355, %iota3A : vector<16xi32>
        %add3A_357 = arith.constant 96 : i32
        %add3A_358 = vector.broadcast %add3A_357 : i32 to vector<16xi32>
        %add3A_359 = arith.addi %mul3A_356, %add3A_358 : vector<16xi32>
        tpu.vector_store_idx %arg18[%broadcast_in_dim3A_250, %add3A_359], %add3A_306 : memref<8x128xf32, #tpu.memory_space<vmem>>[vector<16xi32>, vector<16xi32>], vector<16xf32>,
        %mul3A_360 = arith.constant 2 : i32
        %mul3A_361 = vector.broadcast %mul3A_360 : i32 to vector<16xi32>
        %mul3A_362 = arith.muli %mul3A_361, %iota3A : vector<16xi32>
        %add3A_363 = arith.constant 96 : i32
        %add3A_364 = vector.broadcast %add3A_363 : i32 to vector<16xi32>
        %add3A_365 = arith.addi %mul3A_362, %add3A_364 : vector<16xi32>
        %add3A_366 = arith.constant 1 : i32
        %add3A_367 = vector.broadcast %add3A_366 : i32 to vector<16xi32>
        %add3A_368 = arith.addi %add3A_365, %add3A_367 : vector<16xi32>
        tpu.vector_store_idx %arg18[%broadcast_in_dim3A_250, %add3A_368], %add3A_308 : memref<8x128xf32, #tpu.memory_space<vmem>>[vector<16xi32>, vector<16xi32>], vector<16xf32>,
      }
      %scan3A_116 = arith.constant 8 : i32
      %mul3A_117 = arith.constant 8 : i32
      %mul3A_118 = arith.muli %mul3A_72, %mul3A_117 : i32
      %add3A_119 = arith.addi %select_n3A, %mul3A_118 : i32
      %dma_start3A_120 = arith.constant 0 : i32
      %dma_start3A_121 = tpu.memref_slice %arg7[%add3A_119, %dma_start3A_120] : memref<10240x128xf32, #tpu.memory_space<hbm>> -> memref<8x128xf32, #tpu.memory_space<hbm>>
      %dma_start3A_122 = arith.constant 0 : i32
      %dma_start3A_123 = tpu.memref_slice %arg7[%add3A_119, %dma_start3A_122] : memref<10240x128xf32, #tpu.memory_space<hbm>> -> memref<8x128xf32, #tpu.memory_space<hbm>>
      tpu.enqueue_dma source(%arg18 : memref<8x128xf32, #tpu.memory_space<vmem>>) target(%dma_start3A_123 : memref<8x128xf32, #tpu.memory_space<hbm>>) target_semaphore(%arg22 : memref<!tpu.dma_semaphore, #tpu.memory_space<semaphore_mem>>)
      %add3A_124 = arith.constant 1 : i32
      %add3A_125 = arith.addi %add3A_74, %add3A_124 : i32
      %lt3A = arith.cmpi slt, %add3A_125, %select_n3A_6 : i32
      %convert_element_type3A_126 = arith.extui %lt3A : i1 to i32
      %cond3A_127 = arith.constant 0 : i32
      %cond3A_128 = arith.cmpi ne, %convert_element_type3A_126, %cond3A_127 : i32
      scf.if %cond3A_128 {
        %add3A_166 = arith.constant 1 : i32
        %add3A_167 = arith.addi %add3A_74, %add3A_166 : i32
        %mul3A_168 = arith.constant 256 : i32
        %mul3A_169 = arith.muli %add3A_167, %mul3A_168 : i32
        %multiple_of3A_170 = tpu.assume_multiple %mul3A_169, 8 : i32
        %mul3A_171 = arith.constant 8 : i32
        %mul3A_172 = arith.muli %add3A_167, %mul3A_171 : i32
        %add3A_173 = arith.addi %select_n3A, %mul3A_172 : i32
        %multiple_of3A_174 = tpu.assume_multiple %add3A_173, 8 : i32
        %dma_start3A_175 = tpu.memref_slice %arg10[%multiple_of3A_170] : memref<19456xi32, #tpu.memory_space<vmem>> -> memref<256xi32, #tpu.memory_space<vmem>>
        %dma_start3A_176 = arith.constant 0 : i32
        %dma_start3A_177 = arith.constant 0 : i32
        %dma_start3A_178 = tpu.memref_slice %arg2[%dma_start3A_176, %dma_start3A_177] : memref<10240x64xi32, #tpu.memory_space<hbm>> -> memref<10240x64xi32, #tpu.memory_space<hbm>>
        tpu.enqueue_indirect_dma source(%dma_start3A_178 : memref<10240x64xi32, #tpu.memory_space<hbm>>) target(%arg12 : memref<256x64xi32, #tpu.memory_space<vmem>>) offsets(%dma_start3A_175 : memref<256xi32, #tpu.memory_space<vmem>>) semaphore(%arg20 : memref<!tpu.dma_semaphore, #tpu.memory_space<semaphore_mem>>)
        %dma_start3A_179 = arith.constant 0 : i32
        %dma_start3A_180 = tpu.memref_slice %arg2[%multiple_of3A_174, %dma_start3A_179] : memref<10240x64xi32, #tpu.memory_space<hbm>> -> memref<8x64xi32, #tpu.memory_space<hbm>>
        %dma_start3A_181 = arith.constant 0 : i32
        %dma_start3A_182 = tpu.memref_slice %arg2[%multiple_of3A_174, %dma_start3A_181] : memref<10240x64xi32, #tpu.memory_space<hbm>> -> memref<8x64xi32, #tpu.memory_space<hbm>>
        tpu.enqueue_dma source(%dma_start3A_182 : memref<8x64xi32, #tpu.memory_space<hbm>>) target(%arg14 : memref<8x64xi32, #tpu.memory_space<vmem>>) target_semaphore(%arg20 : memref<!tpu.dma_semaphore, #tpu.memory_space<semaphore_mem>>)
      } else {
      }
      %mul3A_129 = arith.constant 256 : i32
      %mul3A_130 = arith.muli %add3A_74, %mul3A_129 : i32
      %multiple_of3A_131 = tpu.assume_multiple %mul3A_130, 8 : i32
      %mul3A_132 = arith.constant 8 : i32
      %mul3A_133 = arith.muli %add3A_74, %mul3A_132 : i32
      %add3A_134 = arith.addi %select_n3A, %mul3A_133 : i32
      %multiple_of3A_135 = tpu.assume_multiple %add3A_134, 8 : i32
      %dma_wait3A_136 = tpu.memref_slice %arg10[%multiple_of3A_131] : memref<19456xi32, #tpu.memory_space<vmem>> -> memref<256xi32, #tpu.memory_space<vmem>>
      %dma_wait3A_137 = arith.constant 0 : i32
      %dma_wait3A_138 = arith.constant 0 : i32
      %dma_wait3A_139 = tpu.memref_slice %arg2[%dma_wait3A_137, %dma_wait3A_138] : memref<10240x64xi32, #tpu.memory_space<hbm>> -> memref<10240x64xi32, #tpu.memory_space<hbm>>
      tpu.wait_indirect_dma semaphore(%arg21 : memref<!tpu.dma_semaphore, #tpu.memory_space<semaphore_mem>>) src(%dma_wait3A_139 : memref<10240x64xi32, #tpu.memory_space<hbm>>) dst(%arg13 : memref<256x64xi32, #tpu.memory_space<vmem>>)
      %dma_wait3A_140 = arith.constant 0 : i32
      %dma_wait3A_141 = tpu.memref_slice %arg2[%multiple_of3A_135, %dma_wait3A_140] : memref<10240x64xi32, #tpu.memory_space<hbm>> -> memref<8x64xi32, #tpu.memory_space<hbm>>
      %dma_wait3A_142 = arith.constant 0 : i32
      %dma_wait3A_143 = tpu.memref_slice %arg2[%multiple_of3A_135, %dma_wait3A_142] : memref<10240x64xi32, #tpu.memory_space<hbm>> -> memref<8x64xi32, #tpu.memory_space<hbm>>
      tpu.wait_dma2 semaphore(%arg21 : memref<!tpu.dma_semaphore, #tpu.memory_space<semaphore_mem>>) src(%dma_wait3A_143 : memref<8x64xi32, #tpu.memory_space<hbm>>) dst(%arg15 : memref<8x64xi32, #tpu.memory_space<vmem>>)
      %gt3A_144 = arith.constant 0 : i32
      %gt3A_145 = arith.cmpi sgt, %while3A_70, %gt3A_144 : i32
      %convert_element_type3A_146 = arith.extui %gt3A_145 : i1 to i32
      %cond3A_147 = arith.constant 0 : i32
      %cond3A_148 = arith.cmpi ne, %convert_element_type3A_146, %cond3A_147 : i32
      scf.if %cond3A_148 {
        %mul3A_166 = arith.constant 8 : i32
        %mul3A_167 = arith.muli %add3A_74, %mul3A_166 : i32
        %add3A_168 = arith.addi %select_n3A, %mul3A_167 : i32
        %dma_wait3A_169 = arith.constant 0 : i32
        %dma_wait3A_170 = tpu.memref_slice %arg7[%add3A_168, %dma_wait3A_169] : memref<10240x128xf32, #tpu.memory_space<hbm>> -> memref<8x128xf32, #tpu.memory_space<hbm>>
        %dma_wait3A_171 = arith.constant 0 : i32
        %dma_wait3A_172 = tpu.memref_slice %arg7[%add3A_168, %dma_wait3A_171] : memref<10240x128xf32, #tpu.memory_space<hbm>> -> memref<8x128xf32, #tpu.memory_space<hbm>>
        tpu.wait_dma2 semaphore(%arg23 : memref<!tpu.dma_semaphore, #tpu.memory_space<semaphore_mem>>) src(%arg19 : memref<8x128xf32, #tpu.memory_space<vmem>>) dst(%dma_wait3A_172 : memref<8x128xf32, #tpu.memory_space<hbm>>)
      } else {
      }
      %iota3A_149 = tpu.iota {dimensions = array<i32: 0>} : vector<16xi32>
      %eq3A_150 = arith.constant 0 : i32
      %eq3A_151 = vector.broadcast %eq3A_150 : i32 to vector<16xi32>
      %eq3A_152 = arith.cmpi eq, %iota3A_149, %eq3A_151 : vector<16xi32>
      %scan3A_153 = arith.constant 0 : i32
      %scan3A_154 = arith.constant 0 : i32
      %scan3A_155 = arith.constant 8 : i32
      %scan3A_156 = arith.addi %scan3A_154, %scan3A_155 : i32
      %scan3A_157 = arith.constant 1 : i32
      scf.for %scan3A_166 = %scan3A_154 to %scan3A_156 step %scan3A_157  : i32 {
        %mul3A_167 = arith.constant 8 : i32
        %mul3A_168 = arith.muli %add3A_74, %mul3A_167 : i32
        %add3A_169 = arith.addi %mul3A_168, %scan3A_166 : i32
        %mul3A_170 = arith.constant 32 : i32
        %mul3A_171 = arith.muli %add3A_169, %mul3A_170 : i32
        %mul3A_172 = arith.constant 32 : i32
        %mul3A_173 = arith.muli %scan3A_166, %mul3A_172 : i32
        %mul3A_174 = arith.constant 8 : i32
        %mul3A_175 = arith.muli %add3A_74, %mul3A_174 : i32
        %add3A_176 = arith.addi %select_n3A, %mul3A_175 : i32
        %add3A_177 = arith.addi %add3A_176, %scan3A_166 : i32
        %add3A_178 = arith.constant 0 : i32
        %add3A_179 = arith.addi %mul3A_171, %add3A_178 : i32
        %add3A_180 = vector.broadcast %add3A_179 : i32 to vector<16xi32>
        %add3A_181 = arith.addi %add3A_180, %iota3A_149 : vector<16xi32>
        %gather3A = tpu.vector_load_idx %arg11[%add3A_181] : memref<19456xi32, #tpu.memory_space<vmem>>[vector<16xi32>], vector<16xi32>,
        %gather3A_182 = tpu.vector_load_idx %arg10[%add3A_181] : memref<19456xi32, #tpu.memory_space<vmem>>[vector<16xi32>], vector<16xi32>,
        %gather3A_183 = tpu.vector_load_idx %arg8[%gather3A] : memref<10240xf32, #tpu.memory_space<vmem>>[vector<16xi32>], vector<16xf32>,
        %gather3A_184 = tpu.vector_load_idx %arg9[%gather3A_182] : memref<10240xf32, #tpu.memory_space<vmem>>[vector<16xi32>], vector<16xf32>,
        %add3A_185 = arith.addf %gather3A_183, %gather3A_184 : vector<16xf32>
        %ge3A = arith.constant 0.000000e+00 : f32
        %ge3A_186 = vector.broadcast %ge3A : f32 to vector<16xf32>
        %ge3A_187 = arith.cmpf oge, %add3A_185, %ge3A_186 : vector<16xf32>
        %mul3A_188 = arith.constant 2.000000e-01 : f32
        %mul3A_189 = vector.broadcast %mul3A_188 : f32 to vector<16xf32>
        %mul3A_190 = arith.mulf %add3A_185, %mul3A_189 : vector<16xf32>
        %select_n3A_191 = arith.select %ge3A_187, %add3A_185, %mul3A_190 : vector<16xi1>, vector<16xf32>
        %add3A_192 = arith.constant 16 : i32
        %add3A_193 = arith.addi %mul3A_171, %add3A_192 : i32
        %add3A_194 = vector.broadcast %add3A_193 : i32 to vector<16xi32>
        %add3A_195 = arith.addi %add3A_194, %iota3A_149 : vector<16xi32>
        %gather3A_196 = tpu.vector_load_idx %arg11[%add3A_195] : memref<19456xi32, #tpu.memory_space<vmem>>[vector<16xi32>], vector<16xi32>,
        %gather3A_197 = tpu.vector_load_idx %arg10[%add3A_195] : memref<19456xi32, #tpu.memory_space<vmem>>[vector<16xi32>], vector<16xi32>,
        %gather3A_198 = tpu.vector_load_idx %arg8[%gather3A_196] : memref<10240xf32, #tpu.memory_space<vmem>>[vector<16xi32>], vector<16xf32>,
        %gather3A_199 = tpu.vector_load_idx %arg9[%gather3A_197] : memref<10240xf32, #tpu.memory_space<vmem>>[vector<16xi32>], vector<16xf32>,
        %add3A_200 = arith.addf %gather3A_198, %gather3A_199 : vector<16xf32>
        %ge3A_201 = arith.constant 0.000000e+00 : f32
        %ge3A_202 = vector.broadcast %ge3A_201 : f32 to vector<16xf32>
        %ge3A_203 = arith.cmpf oge, %add3A_200, %ge3A_202 : vector<16xf32>
        %mul3A_204 = arith.constant 2.000000e-01 : f32
        %mul3A_205 = vector.broadcast %mul3A_204 : f32 to vector<16xf32>
        %mul3A_206 = arith.mulf %add3A_200, %mul3A_205 : vector<16xf32>
        %select_n3A_207 = arith.select %ge3A_203, %add3A_200, %mul3A_206 : vector<16xi1>, vector<16xf32>
        %broadcast_in_dim3A = vector.broadcast %add3A_177 : i32 to vector<16xi32>
        %gather3A_208 = tpu.vector_load_idx %arg8[%broadcast_in_dim3A] : memref<10240xf32, #tpu.memory_space<vmem>>[vector<16xi32>], vector<16xf32>,
        %gather3A_209 = tpu.vector_load_idx %arg9[%broadcast_in_dim3A] : memref<10240xf32, #tpu.memory_space<vmem>>[vector<16xi32>], vector<16xf32>,
        %add3A_210 = arith.addf %gather3A_208, %gather3A_209 : vector<16xf32>
        %ge3A_211 = arith.constant 0.000000e+00 : f32
        %ge3A_212 = vector.broadcast %ge3A_211 : f32 to vector<16xf32>
        %ge3A_213 = arith.cmpf oge, %add3A_210, %ge3A_212 : vector<16xf32>
        %mul3A_214 = arith.constant 2.000000e-01 : f32
        %mul3A_215 = vector.broadcast %mul3A_214 : f32 to vector<16xf32>
        %mul3A_216 = arith.mulf %add3A_210, %mul3A_215 : vector<16xf32>
        %select_n3A_217 = arith.select %ge3A_213, %add3A_210, %mul3A_216 : vector<16xi1>, vector<16xf32>
        %jit3A_218 = arith.constant -1.000000e+30 : f32
        %broadcast_in_dim3A_219 = vector.broadcast %jit3A_218 : f32 to vector<16xf32>
        %select_n3A_220 = arith.select %eq3A_152, %select_n3A_217, %broadcast_in_dim3A_219 : vector<16xi1>, vector<16xf32>
        %max3A = arith.maximumf %select_n3A_191, %select_n3A_207 : vector<16xf32>
        %max3A_221 = arith.maximumf %max3A, %select_n3A_220 : vector<16xf32>
        %reduce_max3A = arith.constant true
        %reduce_max3A_222 = vector.broadcast %reduce_max3A : i1 to vector<16xi1>
        %reduce_max3A_223 = tpu.scan <max>, %max3A_221 masked %reduce_max3A_222 : vector<16xf32>, vector<16xi1> -> vector<16xf32>
        %reduce_max3A_224 = vector.extract %reduce_max3A_223[15] : f32 from vector<16xf32>
        %sub3A_225 = vector.broadcast %reduce_max3A_224 : f32 to vector<16xf32>
        %sub3A_226 = arith.subf %select_n3A_191, %sub3A_225 : vector<16xf32>
        %exp3A = math.exp %sub3A_226 : vector<16xf32>
        %sub3A_227 = vector.broadcast %reduce_max3A_224 : f32 to vector<16xf32>
        %sub3A_228 = arith.subf %select_n3A_207, %sub3A_227 : vector<16xf32>
        %exp3A_229 = math.exp %sub3A_228 : vector<16xf32>
        %sub3A_230 = vector.broadcast %reduce_max3A_224 : f32 to vector<16xf32>
        %sub3A_231 = arith.subf %select_n3A_220, %sub3A_230 : vector<16xf32>
        %exp3A_232 = math.exp %sub3A_231 : vector<16xf32>
        %add3A_233 = arith.addf %exp3A, %exp3A_229 : vector<16xf32>
        %add3A_234 = arith.addf %add3A_233, %exp3A_232 : vector<16xf32>
        %reduce_sum3A = arith.constant true
        %reduce_sum3A_235 = vector.broadcast %reduce_sum3A : i1 to vector<16xi1>
        %reduce_sum3A_236 = tpu.scan <sum>, %add3A_234 masked %reduce_sum3A_235 : vector<16xf32>, vector<16xi1> -> vector<16xf32>
        %reduce_sum3A_237 = vector.extract %reduce_sum3A_236[15] : f32 from vector<16xf32>
        %broadcast_in_dim3A_238 = arith.constant 1.000000e+00 : f32
        %broadcast_in_dim3A_239 = vector.broadcast %broadcast_in_dim3A_238 : f32 to vector<16xf32>
        %broadcast_in_dim3A_240 = vector.broadcast %reduce_sum3A_237 : f32 to vector<16xf32>
        %div3A_241 = arith.divf %broadcast_in_dim3A_239, %broadcast_in_dim3A_240 : vector<16xf32>
        %add3A_242 = vector.broadcast %mul3A_173 : i32 to vector<16xi32>
        %add3A_243 = arith.addi %add3A_242, %iota3A_149 : vector<16xi32>
        %mul3A_244 = arith.mulf %exp3A, %div3A_241 : vector<16xf32>
        tpu.vector_store_idx %arg16[%add3A_243], %mul3A_244 : memref<256xf32, #tpu.memory_space<vmem>>[vector<16xi32>], vector<16xf32>,
        %add3A_245 = arith.constant 16 : i32
        %add3A_246 = arith.addi %mul3A_173, %add3A_245 : i32
        %add3A_247 = vector.broadcast %add3A_246 : i32 to vector<16xi32>
        %add3A_248 = arith.addi %add3A_247, %iota3A_149 : vector<16xi32>
        %mul3A_249 = arith.mulf %exp3A_229, %div3A_241 : vector<16xf32>
        tpu.vector_store_idx %arg16[%add3A_248], %mul3A_249 : memref<256xf32, #tpu.memory_space<vmem>>[vector<16xi32>], vector<16xf32>,
        %broadcast_in_dim3A_250 = vector.broadcast %scan3A_166 : i32 to vector<16xi32>
        %mul3A_251 = arith.mulf %exp3A_232, %div3A_241 : vector<16xf32>
        tpu.vector_store_idx %arg17[%broadcast_in_dim3A_250], %mul3A_251 masked %eq3A_152 : memref<16xf32, #tpu.memory_space<vmem>>[vector<16xi32>], vector<16xf32>, vector<16xi1>
        %broadcast_in_dim3A_252 = arith.constant 0.000000e+00 : f32
        %broadcast_in_dim3A_253 = vector.broadcast %broadcast_in_dim3A_252 : f32 to vector<16xf32>
        %broadcast_in_dim3A_254 = arith.constant 0.000000e+00 : f32
        %broadcast_in_dim3A_255 = vector.broadcast %broadcast_in_dim3A_254 : f32 to vector<16xf32>
        %broadcast_in_dim3A_256 = arith.constant 0.000000e+00 : f32
        %broadcast_in_dim3A_257 = vector.broadcast %broadcast_in_dim3A_256 : f32 to vector<16xf32>
        %broadcast_in_dim3A_258 = arith.constant 0.000000e+00 : f32
        %broadcast_in_dim3A_259 = vector.broadcast %broadcast_in_dim3A_258 : f32 to vector<16xf32>
        %scan3A_260 = arith.constant 0 : i32
        %scan3A_261 = arith.constant 32 : i32
        %scan3A_262 = arith.addi %scan3A_260, %scan3A_261 : i32
        %scan3A_263 = arith.constant 1 : i32
        %scan3A_264:8 = scf.for %scan3A_369 = %scan3A_260 to %scan3A_262 step %scan3A_263 iter_args(%scan3A_370 = %broadcast_in_dim3A_253, %scan3A_371 = %broadcast_in_dim3A_255, %scan3A_372 = %broadcast_in_dim3A_257, %scan3A_373 = %broadcast_in_dim3A_259, %scan3A_374 = %broadcast_in_dim3A_253, %scan3A_375 = %broadcast_in_dim3A_255, %scan3A_376 = %broadcast_in_dim3A_257, %scan3A_377 = %broadcast_in_dim3A_259) -> (vector<16xf32>, vector<16xf32>, vector<16xf32>, vector<16xf32>, vector<16xf32>, vector<16xf32>, vector<16xf32>, vector<16xf32>)  : i32 {
          %add3A_378 = arith.addi %mul3A_173, %scan3A_369 : i32
          %broadcast_in_dim3A_379 = vector.broadcast %add3A_378 : i32 to vector<16xi32>
          %gather3A_380 = tpu.vector_load_idx %arg16[%broadcast_in_dim3A_379] : memref<256xf32, #tpu.memory_space<vmem>>[vector<16xi32>], vector<16xf32>,
          %add3A_381 = arith.constant 0 : i32
          %add3A_382 = vector.broadcast %add3A_381 : i32 to vector<16xi32>
          %add3A_383 = arith.addi %iota3A_149, %add3A_382 : vector<16xi32>
          %gather3A_384 = tpu.vector_load_idx %arg13[%broadcast_in_dim3A_379, %add3A_383] : memref<256x64xi32, #tpu.memory_space<vmem>>[vector<16xi32>, vector<16xi32>], vector<16xi32>,
          %bitcast3A_385 = vector.bitcast %gather3A_384 : vector<16xi32> to vector<32xbf16>
          %unpack3A_386 = tpu.unpack_subelements %bitcast3A_385, 0 {pack_format = #tpu.pack_format<interleaved>} : vector<32xbf16> -> vector<16xf32>
          %unpack3A_387 = tpu.unpack_subelements %bitcast3A_385, 1 {pack_format = #tpu.pack_format<interleaved>} : vector<32xbf16> -> vector<16xf32>
          %mul3A_388 = arith.mulf %gather3A_380, %unpack3A_386 : vector<16xf32>
          %add3A_389 = arith.addf %scan3A_370, %mul3A_388 : vector<16xf32>
          %mul3A_390 = arith.mulf %gather3A_380, %unpack3A_387 : vector<16xf32>
          %add3A_391 = arith.addf %scan3A_374, %mul3A_390 : vector<16xf32>
          %add3A_392 = arith.constant 16 : i32
          %add3A_393 = vector.broadcast %add3A_392 : i32 to vector<16xi32>
          %add3A_394 = arith.addi %iota3A_149, %add3A_393 : vector<16xi32>
          %gather3A_395 = tpu.vector_load_idx %arg13[%broadcast_in_dim3A_379, %add3A_394] : memref<256x64xi32, #tpu.memory_space<vmem>>[vector<16xi32>, vector<16xi32>], vector<16xi32>,
          %bitcast3A_396 = vector.bitcast %gather3A_395 : vector<16xi32> to vector<32xbf16>
          %unpack3A_397 = tpu.unpack_subelements %bitcast3A_396, 0 {pack_format = #tpu.pack_format<interleaved>} : vector<32xbf16> -> vector<16xf32>
          %unpack3A_398 = tpu.unpack_subelements %bitcast3A_396, 1 {pack_format = #tpu.pack_format<interleaved>} : vector<32xbf16> -> vector<16xf32>
          %mul3A_399 = arith.mulf %gather3A_380, %unpack3A_397 : vector<16xf32>
          %add3A_400 = arith.addf %scan3A_371, %mul3A_399 : vector<16xf32>
          %mul3A_401 = arith.mulf %gather3A_380, %unpack3A_398 : vector<16xf32>
          %add3A_402 = arith.addf %scan3A_375, %mul3A_401 : vector<16xf32>
          %add3A_403 = arith.constant 32 : i32
          %add3A_404 = vector.broadcast %add3A_403 : i32 to vector<16xi32>
          %add3A_405 = arith.addi %iota3A_149, %add3A_404 : vector<16xi32>
          %gather3A_406 = tpu.vector_load_idx %arg13[%broadcast_in_dim3A_379, %add3A_405] : memref<256x64xi32, #tpu.memory_space<vmem>>[vector<16xi32>, vector<16xi32>], vector<16xi32>,
          %bitcast3A_407 = vector.bitcast %gather3A_406 : vector<16xi32> to vector<32xbf16>
          %unpack3A_408 = tpu.unpack_subelements %bitcast3A_407, 0 {pack_format = #tpu.pack_format<interleaved>} : vector<32xbf16> -> vector<16xf32>
          %unpack3A_409 = tpu.unpack_subelements %bitcast3A_407, 1 {pack_format = #tpu.pack_format<interleaved>} : vector<32xbf16> -> vector<16xf32>
          %mul3A_410 = arith.mulf %gather3A_380, %unpack3A_408 : vector<16xf32>
          %add3A_411 = arith.addf %scan3A_372, %mul3A_410 : vector<16xf32>
          %mul3A_412 = arith.mulf %gather3A_380, %unpack3A_409 : vector<16xf32>
          %add3A_413 = arith.addf %scan3A_376, %mul3A_412 : vector<16xf32>
          %add3A_414 = arith.constant 48 : i32
          %add3A_415 = vector.broadcast %add3A_414 : i32 to vector<16xi32>
          %add3A_416 = arith.addi %iota3A_149, %add3A_415 : vector<16xi32>
          %gather3A_417 = tpu.vector_load_idx %arg13[%broadcast_in_dim3A_379, %add3A_416] : memref<256x64xi32, #tpu.memory_space<vmem>>[vector<16xi32>, vector<16xi32>], vector<16xi32>,
          %bitcast3A_418 = vector.bitcast %gather3A_417 : vector<16xi32> to vector<32xbf16>
          %unpack3A_419 = tpu.unpack_subelements %bitcast3A_418, 0 {pack_format = #tpu.pack_format<interleaved>} : vector<32xbf16> -> vector<16xf32>
          %unpack3A_420 = tpu.unpack_subelements %bitcast3A_418, 1 {pack_format = #tpu.pack_format<interleaved>} : vector<32xbf16> -> vector<16xf32>
          %mul3A_421 = arith.mulf %gather3A_380, %unpack3A_419 : vector<16xf32>
          %add3A_422 = arith.addf %scan3A_373, %mul3A_421 : vector<16xf32>
          %mul3A_423 = arith.mulf %gather3A_380, %unpack3A_420 : vector<16xf32>
          %add3A_424 = arith.addf %scan3A_377, %mul3A_423 : vector<16xf32>
          scf.yield %add3A_389, %add3A_400, %add3A_411, %add3A_422, %add3A_391, %add3A_402, %add3A_413, %add3A_424 : vector<16xf32>, vector<16xf32>, vector<16xf32>, vector<16xf32>, vector<16xf32>, vector<16xf32>, vector<16xf32>, vector<16xf32>
        }
        %scan3A_265 = arith.constant 32 : i32
        %gather3A_266 = tpu.vector_load_idx %arg17[%broadcast_in_dim3A_250] : memref<16xf32, #tpu.memory_space<vmem>>[vector<16xi32>], vector<16xf32>,
        %add3A_267 = arith.constant 0 : i32
        %add3A_268 = vector.broadcast %add3A_267 : i32 to vector<16xi32>
        %add3A_269 = arith.addi %iota3A_149, %add3A_268 : vector<16xi32>
        %gather3A_270 = tpu.vector_load_idx %arg15[%broadcast_in_dim3A_250, %add3A_269] : memref<8x64xi32, #tpu.memory_space<vmem>>[vector<16xi32>, vector<16xi32>], vector<16xi32>,
        %bitcast3A = vector.bitcast %gather3A_270 : vector<16xi32> to vector<32xbf16>
        %unpack3A = tpu.unpack_subelements %bitcast3A, 0 {pack_format = #tpu.pack_format<interleaved>} : vector<32xbf16> -> vector<16xf32>
        %unpack3A_271 = tpu.unpack_subelements %bitcast3A, 1 {pack_format = #tpu.pack_format<interleaved>} : vector<32xbf16> -> vector<16xf32>
        %mul3A_272 = arith.mulf %gather3A_266, %unpack3A : vector<16xf32>
        %add3A_273 = arith.addf %scan3A_264#0, %mul3A_272 : vector<16xf32>
        %mul3A_274 = arith.mulf %gather3A_266, %unpack3A_271 : vector<16xf32>
        %add3A_275 = arith.addf %scan3A_264#4, %mul3A_274 : vector<16xf32>
        %add3A_276 = arith.constant 16 : i32
        %add3A_277 = vector.broadcast %add3A_276 : i32 to vector<16xi32>
        %add3A_278 = arith.addi %iota3A_149, %add3A_277 : vector<16xi32>
        %gather3A_279 = tpu.vector_load_idx %arg15[%broadcast_in_dim3A_250, %add3A_278] : memref<8x64xi32, #tpu.memory_space<vmem>>[vector<16xi32>, vector<16xi32>], vector<16xi32>,
        %bitcast3A_280 = vector.bitcast %gather3A_279 : vector<16xi32> to vector<32xbf16>
        %unpack3A_281 = tpu.unpack_subelements %bitcast3A_280, 0 {pack_format = #tpu.pack_format<interleaved>} : vector<32xbf16> -> vector<16xf32>
        %unpack3A_282 = tpu.unpack_subelements %bitcast3A_280, 1 {pack_format = #tpu.pack_format<interleaved>} : vector<32xbf16> -> vector<16xf32>
        %mul3A_283 = arith.mulf %gather3A_266, %unpack3A_281 : vector<16xf32>
        %add3A_284 = arith.addf %scan3A_264#1, %mul3A_283 : vector<16xf32>
        %mul3A_285 = arith.mulf %gather3A_266, %unpack3A_282 : vector<16xf32>
        %add3A_286 = arith.addf %scan3A_264#5, %mul3A_285 : vector<16xf32>
        %add3A_287 = arith.constant 32 : i32
        %add3A_288 = vector.broadcast %add3A_287 : i32 to vector<16xi32>
        %add3A_289 = arith.addi %iota3A_149, %add3A_288 : vector<16xi32>
        %gather3A_290 = tpu.vector_load_idx %arg15[%broadcast_in_dim3A_250, %add3A_289] : memref<8x64xi32, #tpu.memory_space<vmem>>[vector<16xi32>, vector<16xi32>], vector<16xi32>,
        %bitcast3A_291 = vector.bitcast %gather3A_290 : vector<16xi32> to vector<32xbf16>
        %unpack3A_292 = tpu.unpack_subelements %bitcast3A_291, 0 {pack_format = #tpu.pack_format<interleaved>} : vector<32xbf16> -> vector<16xf32>
        %unpack3A_293 = tpu.unpack_subelements %bitcast3A_291, 1 {pack_format = #tpu.pack_format<interleaved>} : vector<32xbf16> -> vector<16xf32>
        %mul3A_294 = arith.mulf %gather3A_266, %unpack3A_292 : vector<16xf32>
        %add3A_295 = arith.addf %scan3A_264#2, %mul3A_294 : vector<16xf32>
        %mul3A_296 = arith.mulf %gather3A_266, %unpack3A_293 : vector<16xf32>
        %add3A_297 = arith.addf %scan3A_264#6, %mul3A_296 : vector<16xf32>
        %add3A_298 = arith.constant 48 : i32
        %add3A_299 = vector.broadcast %add3A_298 : i32 to vector<16xi32>
        %add3A_300 = arith.addi %iota3A_149, %add3A_299 : vector<16xi32>
        %gather3A_301 = tpu.vector_load_idx %arg15[%broadcast_in_dim3A_250, %add3A_300] : memref<8x64xi32, #tpu.memory_space<vmem>>[vector<16xi32>, vector<16xi32>], vector<16xi32>,
        %bitcast3A_302 = vector.bitcast %gather3A_301 : vector<16xi32> to vector<32xbf16>
        %unpack3A_303 = tpu.unpack_subelements %bitcast3A_302, 0 {pack_format = #tpu.pack_format<interleaved>} : vector<32xbf16> -> vector<16xf32>
        %unpack3A_304 = tpu.unpack_subelements %bitcast3A_302, 1 {pack_format = #tpu.pack_format<interleaved>} : vector<32xbf16> -> vector<16xf32>
        %mul3A_305 = arith.mulf %gather3A_266, %unpack3A_303 : vector<16xf32>
        %add3A_306 = arith.addf %scan3A_264#3, %mul3A_305 : vector<16xf32>
        %mul3A_307 = arith.mulf %gather3A_266, %unpack3A_304 : vector<16xf32>
        %add3A_308 = arith.addf %scan3A_264#7, %mul3A_307 : vector<16xf32>
        %mul3A_309 = arith.constant 2 : i32
        %mul3A_310 = vector.broadcast %mul3A_309 : i32 to vector<16xi32>
        %mul3A_311 = arith.muli %mul3A_310, %iota3A_149 : vector<16xi32>
        %add3A_312 = arith.constant 0 : i32
        %add3A_313 = vector.broadcast %add3A_312 : i32 to vector<16xi32>
        %add3A_314 = arith.addi %mul3A_311, %add3A_313 : vector<16xi32>
        tpu.vector_store_idx %arg19[%broadcast_in_dim3A_250, %add3A_314], %add3A_273 : memref<8x128xf32, #tpu.memory_space<vmem>>[vector<16xi32>, vector<16xi32>], vector<16xf32>,
        %mul3A_315 = arith.constant 2 : i32
        %mul3A_316 = vector.broadcast %mul3A_315 : i32 to vector<16xi32>
        %mul3A_317 = arith.muli %mul3A_316, %iota3A_149 : vector<16xi32>
        %add3A_318 = arith.constant 0 : i32
        %add3A_319 = vector.broadcast %add3A_318 : i32 to vector<16xi32>
        %add3A_320 = arith.addi %mul3A_317, %add3A_319 : vector<16xi32>
        %add3A_321 = arith.constant 1 : i32
        %add3A_322 = vector.broadcast %add3A_321 : i32 to vector<16xi32>
        %add3A_323 = arith.addi %add3A_320, %add3A_322 : vector<16xi32>
        tpu.vector_store_idx %arg19[%broadcast_in_dim3A_250, %add3A_323], %add3A_275 : memref<8x128xf32, #tpu.memory_space<vmem>>[vector<16xi32>, vector<16xi32>], vector<16xf32>,
        %mul3A_324 = arith.constant 2 : i32
        %mul3A_325 = vector.broadcast %mul3A_324 : i32 to vector<16xi32>
        %mul3A_326 = arith.muli %mul3A_325, %iota3A_149 : vector<16xi32>
        %add3A_327 = arith.constant 32 : i32
        %add3A_328 = vector.broadcast %add3A_327 : i32 to vector<16xi32>
        %add3A_329 = arith.addi %mul3A_326, %add3A_328 : vector<16xi32>
        tpu.vector_store_idx %arg19[%broadcast_in_dim3A_250, %add3A_329], %add3A_284 : memref<8x128xf32, #tpu.memory_space<vmem>>[vector<16xi32>, vector<16xi32>], vector<16xf32>,
        %mul3A_330 = arith.constant 2 : i32
        %mul3A_331 = vector.broadcast %mul3A_330 : i32 to vector<16xi32>
        %mul3A_332 = arith.muli %mul3A_331, %iota3A_149 : vector<16xi32>
        %add3A_333 = arith.constant 32 : i32
        %add3A_334 = vector.broadcast %add3A_333 : i32 to vector<16xi32>
        %add3A_335 = arith.addi %mul3A_332, %add3A_334 : vector<16xi32>
        %add3A_336 = arith.constant 1 : i32
        %add3A_337 = vector.broadcast %add3A_336 : i32 to vector<16xi32>
        %add3A_338 = arith.addi %add3A_335, %add3A_337 : vector<16xi32>
        tpu.vector_store_idx %arg19[%broadcast_in_dim3A_250, %add3A_338], %add3A_286 : memref<8x128xf32, #tpu.memory_space<vmem>>[vector<16xi32>, vector<16xi32>], vector<16xf32>,
        %mul3A_339 = arith.constant 2 : i32
        %mul3A_340 = vector.broadcast %mul3A_339 : i32 to vector<16xi32>
        %mul3A_341 = arith.muli %mul3A_340, %iota3A_149 : vector<16xi32>
        %add3A_342 = arith.constant 64 : i32
        %add3A_343 = vector.broadcast %add3A_342 : i32 to vector<16xi32>
        %add3A_344 = arith.addi %mul3A_341, %add3A_343 : vector<16xi32>
        tpu.vector_store_idx %arg19[%broadcast_in_dim3A_250, %add3A_344], %add3A_295 : memref<8x128xf32, #tpu.memory_space<vmem>>[vector<16xi32>, vector<16xi32>], vector<16xf32>,
        %mul3A_345 = arith.constant 2 : i32
        %mul3A_346 = vector.broadcast %mul3A_345 : i32 to vector<16xi32>
        %mul3A_347 = arith.muli %mul3A_346, %iota3A_149 : vector<16xi32>
        %add3A_348 = arith.constant 64 : i32
        %add3A_349 = vector.broadcast %add3A_348 : i32 to vector<16xi32>
        %add3A_350 = arith.addi %mul3A_347, %add3A_349 : vector<16xi32>
        %add3A_351 = arith.constant 1 : i32
        %add3A_352 = vector.broadcast %add3A_351 : i32 to vector<16xi32>
        %add3A_353 = arith.addi %add3A_350, %add3A_352 : vector<16xi32>
        tpu.vector_store_idx %arg19[%broadcast_in_dim3A_250, %add3A_353], %add3A_297 : memref<8x128xf32, #tpu.memory_space<vmem>>[vector<16xi32>, vector<16xi32>], vector<16xf32>,
        %mul3A_354 = arith.constant 2 : i32
        %mul3A_355 = vector.broadcast %mul3A_354 : i32 to vector<16xi32>
        %mul3A_356 = arith.muli %mul3A_355, %iota3A_149 : vector<16xi32>
        %add3A_357 = arith.constant 96 : i32
        %add3A_358 = vector.broadcast %add3A_357 : i32 to vector<16xi32>
        %add3A_359 = arith.addi %mul3A_356, %add3A_358 : vector<16xi32>
        tpu.vector_store_idx %arg19[%broadcast_in_dim3A_250, %add3A_359], %add3A_306 : memref<8x128xf32, #tpu.memory_space<vmem>>[vector<16xi32>, vector<16xi32>], vector<16xf32>,
        %mul3A_360 = arith.constant 2 : i32
        %mul3A_361 = vector.broadcast %mul3A_360 : i32 to vector<16xi32>
        %mul3A_362 = arith.muli %mul3A_361, %iota3A_149 : vector<16xi32>
        %add3A_363 = arith.constant 96 : i32
        %add3A_364 = vector.broadcast %add3A_363 : i32 to vector<16xi32>
        %add3A_365 = arith.addi %mul3A_362, %add3A_364 : vector<16xi32>
        %add3A_366 = arith.constant 1 : i32
        %add3A_367 = vector.broadcast %add3A_366 : i32 to vector<16xi32>
        %add3A_368 = arith.addi %add3A_365, %add3A_367 : vector<16xi32>
        tpu.vector_store_idx %arg19[%broadcast_in_dim3A_250, %add3A_368], %add3A_308 : memref<8x128xf32, #tpu.memory_space<vmem>>[vector<16xi32>, vector<16xi32>], vector<16xf32>,
      }
      %scan3A_158 = arith.constant 8 : i32
      %mul3A_159 = arith.constant 8 : i32
      %mul3A_160 = arith.muli %add3A_74, %mul3A_159 : i32
      %add3A_161 = arith.addi %select_n3A, %mul3A_160 : i32
      %dma_start3A_162 = arith.constant 0 : i32
      %dma_start3A_163 = tpu.memref_slice %arg7[%add3A_161, %dma_start3A_162] : memref<10240x128xf32, #tpu.memory_space<hbm>> -> memref<8x128xf32, #tpu.memory_space<hbm>>
      %dma_start3A_164 = arith.constant 0 : i32
      %dma_start3A_165 = tpu.memref_slice %arg7[%add3A_161, %dma_start3A_164] : memref<10240x128xf32, #tpu.memory_space<hbm>> -> memref<8x128xf32, #tpu.memory_space<hbm>>
      tpu.enqueue_dma source(%arg19 : memref<8x128xf32, #tpu.memory_space<vmem>>) target(%dma_start3A_165 : memref<8x128xf32, #tpu.memory_space<hbm>>) target_semaphore(%arg23 : memref<!tpu.dma_semaphore, #tpu.memory_space<semaphore_mem>>)
    }
    %while3A_52 = arith.constant 1 : i32
    scf.for %while3A_70 = %while3A_50 to %while3A_46 step %while3A_52  : i32 {
      %mul3A_71 = arith.constant 2 : i32
      %mul3A_72 = arith.muli %mul3A_71, %while3A_70 : i32
      %add3A_73 = arith.constant 1 : i32
      %add3A_74 = arith.addi %mul3A_72, %add3A_73 : i32
      %mul3A_75 = arith.constant 256 : i32
      %mul3A_76 = arith.muli %add3A_74, %mul3A_75 : i32
      %multiple_of3A_77 = tpu.assume_multiple %mul3A_76, 8 : i32
      %mul3A_78 = arith.constant 8 : i32
      %mul3A_79 = arith.muli %add3A_74, %mul3A_78 : i32
      %add3A_80 = arith.addi %select_n3A, %mul3A_79 : i32
      %multiple_of3A_81 = tpu.assume_multiple %add3A_80, 8 : i32
      %dma_start3A_82 = tpu.memref_slice %arg10[%multiple_of3A_77] : memref<19456xi32, #tpu.memory_space<vmem>> -> memref<256xi32, #tpu.memory_space<vmem>>
      %dma_start3A_83 = arith.constant 0 : i32
      %dma_start3A_84 = arith.constant 0 : i32
      %dma_start3A_85 = tpu.memref_slice %arg2[%dma_start3A_83, %dma_start3A_84] : memref<10240x64xi32, #tpu.memory_space<hbm>> -> memref<10240x64xi32, #tpu.memory_space<hbm>>
      tpu.enqueue_indirect_dma source(%dma_start3A_85 : memref<10240x64xi32, #tpu.memory_space<hbm>>) target(%arg13 : memref<256x64xi32, #tpu.memory_space<vmem>>) offsets(%dma_start3A_82 : memref<256xi32, #tpu.memory_space<vmem>>) semaphore(%arg21 : memref<!tpu.dma_semaphore, #tpu.memory_space<semaphore_mem>>)
      %dma_start3A_86 = arith.constant 0 : i32
      %dma_start3A_87 = tpu.memref_slice %arg2[%multiple_of3A_81, %dma_start3A_86] : memref<10240x64xi32, #tpu.memory_space<hbm>> -> memref<8x64xi32, #tpu.memory_space<hbm>>
      %dma_start3A_88 = arith.constant 0 : i32
      %dma_start3A_89 = tpu.memref_slice %arg2[%multiple_of3A_81, %dma_start3A_88] : memref<10240x64xi32, #tpu.memory_space<hbm>> -> memref<8x64xi32, #tpu.memory_space<hbm>>
      tpu.enqueue_dma source(%dma_start3A_89 : memref<8x64xi32, #tpu.memory_space<hbm>>) target(%arg15 : memref<8x64xi32, #tpu.memory_space<vmem>>) target_semaphore(%arg21 : memref<!tpu.dma_semaphore, #tpu.memory_space<semaphore_mem>>)
      %mul3A_90 = arith.constant 256 : i32
      %mul3A_91 = arith.muli %mul3A_72, %mul3A_90 : i32
      %multiple_of3A_92 = tpu.assume_multiple %mul3A_91, 8 : i32
      %mul3A_93 = arith.constant 8 : i32
      %mul3A_94 = arith.muli %mul3A_72, %mul3A_93 : i32
      %add3A_95 = arith.addi %select_n3A, %mul3A_94 : i32
      %multiple_of3A_96 = tpu.assume_multiple %add3A_95, 8 : i32
      %dma_wait3A_97 = tpu.memref_slice %arg10[%multiple_of3A_92] : memref<19456xi32, #tpu.memory_space<vmem>> -> memref<256xi32, #tpu.memory_space<vmem>>
      %dma_wait3A_98 = arith.constant 0 : i32
      %dma_wait3A_99 = arith.constant 0 : i32
      %dma_wait3A_100 = tpu.memref_slice %arg2[%dma_wait3A_98, %dma_wait3A_99] : memref<10240x64xi32, #tpu.memory_space<hbm>> -> memref<10240x64xi32, #tpu.memory_space<hbm>>
      tpu.wait_indirect_dma semaphore(%arg20 : memref<!tpu.dma_semaphore, #tpu.memory_space<semaphore_mem>>) src(%dma_wait3A_100 : memref<10240x64xi32, #tpu.memory_space<hbm>>) dst(%arg12 : memref<256x64xi32, #tpu.memory_space<vmem>>)
      %dma_wait3A_101 = arith.constant 0 : i32
      %dma_wait3A_102 = tpu.memref_slice %arg2[%multiple_of3A_96, %dma_wait3A_101] : memref<10240x64xi32, #tpu.memory_space<hbm>> -> memref<8x64xi32, #tpu.memory_space<hbm>>
      %dma_wait3A_103 = arith.constant 0 : i32
      %dma_wait3A_104 = tpu.memref_slice %arg2[%multiple_of3A_96, %dma_wait3A_103] : memref<10240x64xi32, #tpu.memory_space<hbm>> -> memref<8x64xi32, #tpu.memory_space<hbm>>
      tpu.wait_dma2 semaphore(%arg20 : memref<!tpu.dma_semaphore, #tpu.memory_space<semaphore_mem>>) src(%dma_wait3A_104 : memref<8x64xi32, #tpu.memory_space<hbm>>) dst(%arg14 : memref<8x64xi32, #tpu.memory_space<vmem>>)
      %gt3A = arith.constant 0 : i32
      %gt3A_105 = arith.cmpi sgt, %while3A_70, %gt3A : i32
      %convert_element_type3A_106 = arith.extui %gt3A_105 : i1 to i32
      %cond3A_107 = arith.constant 0 : i32
      %cond3A_108 = arith.cmpi ne, %convert_element_type3A_106, %cond3A_107 : i32
      scf.if %cond3A_108 {
        %mul3A_166 = arith.constant 8 : i32
        %mul3A_167 = arith.muli %mul3A_72, %mul3A_166 : i32
        %add3A_168 = arith.addi %select_n3A, %mul3A_167 : i32
        %dma_wait3A_169 = arith.constant 0 : i32
        %dma_wait3A_170 = tpu.memref_slice %arg7[%add3A_168, %dma_wait3A_169] : memref<10240x128xf32, #tpu.memory_space<hbm>> -> memref<8x128xf32, #tpu.memory_space<hbm>>
        %dma_wait3A_171 = arith.constant 0 : i32
        %dma_wait3A_172 = tpu.memref_slice %arg7[%add3A_168, %dma_wait3A_171] : memref<10240x128xf32, #tpu.memory_space<hbm>> -> memref<8x128xf32, #tpu.memory_space<hbm>>
        tpu.wait_dma2 semaphore(%arg22 : memref<!tpu.dma_semaphore, #tpu.memory_space<semaphore_mem>>) src(%arg18 : memref<8x128xf32, #tpu.memory_space<vmem>>) dst(%dma_wait3A_172 : memref<8x128xf32, #tpu.memory_space<hbm>>)
      } else {
      }
      %iota3A = tpu.iota {dimensions = array<i32: 0>} : vector<16xi32>
      %eq3A_109 = arith.constant 0 : i32
      %eq3A_110 = vector.broadcast %eq3A_109 : i32 to vector<16xi32>
      %eq3A_111 = arith.cmpi eq, %iota3A, %eq3A_110 : vector<16xi32>
      %scan3A = arith.constant 0 : i32
      %scan3A_112 = arith.constant 0 : i32
      %scan3A_113 = arith.constant 8 : i32
      %scan3A_114 = arith.addi %scan3A_112, %scan3A_113 : i32
      %scan3A_115 = arith.constant 1 : i32
      scf.for %scan3A_166 = %scan3A_112 to %scan3A_114 step %scan3A_115  : i32 {
        %mul3A_167 = arith.constant 8 : i32
        %mul3A_168 = arith.muli %mul3A_72, %mul3A_167 : i32
        %add3A_169 = arith.addi %mul3A_168, %scan3A_166 : i32
        %mul3A_170 = arith.constant 32 : i32
        %mul3A_171 = arith.muli %add3A_169, %mul3A_170 : i32
        %mul3A_172 = arith.constant 32 : i32
        %mul3A_173 = arith.muli %scan3A_166, %mul3A_172 : i32
        %mul3A_174 = arith.constant 8 : i32
        %mul3A_175 = arith.muli %mul3A_72, %mul3A_174 : i32
        %add3A_176 = arith.addi %select_n3A, %mul3A_175 : i32
        %add3A_177 = arith.addi %add3A_176, %scan3A_166 : i32
        %add3A_178 = arith.constant 0 : i32
        %add3A_179 = arith.addi %mul3A_171, %add3A_178 : i32
        %add3A_180 = vector.broadcast %add3A_179 : i32 to vector<16xi32>
        %add3A_181 = arith.addi %add3A_180, %iota3A : vector<16xi32>
        %gather3A = tpu.vector_load_idx %arg11[%add3A_181] : memref<19456xi32, #tpu.memory_space<vmem>>[vector<16xi32>], vector<16xi32>,
        %gather3A_182 = tpu.vector_load_idx %arg10[%add3A_181] : memref<19456xi32, #tpu.memory_space<vmem>>[vector<16xi32>], vector<16xi32>,
        %gather3A_183 = tpu.vector_load_idx %arg8[%gather3A] : memref<10240xf32, #tpu.memory_space<vmem>>[vector<16xi32>], vector<16xf32>,
        %gather3A_184 = tpu.vector_load_idx %arg9[%gather3A_182] : memref<10240xf32, #tpu.memory_space<vmem>>[vector<16xi32>], vector<16xf32>,
        %add3A_185 = arith.addf %gather3A_183, %gather3A_184 : vector<16xf32>
        %ge3A = arith.constant 0.000000e+00 : f32
        %ge3A_186 = vector.broadcast %ge3A : f32 to vector<16xf32>
        %ge3A_187 = arith.cmpf oge, %add3A_185, %ge3A_186 : vector<16xf32>
        %mul3A_188 = arith.constant 2.000000e-01 : f32
        %mul3A_189 = vector.broadcast %mul3A_188 : f32 to vector<16xf32>
        %mul3A_190 = arith.mulf %add3A_185, %mul3A_189 : vector<16xf32>
        %select_n3A_191 = arith.select %ge3A_187, %add3A_185, %mul3A_190 : vector<16xi1>, vector<16xf32>
        %add3A_192 = arith.constant 16 : i32
        %add3A_193 = arith.addi %mul3A_171, %add3A_192 : i32
        %add3A_194 = vector.broadcast %add3A_193 : i32 to vector<16xi32>
        %add3A_195 = arith.addi %add3A_194, %iota3A : vector<16xi32>
        %gather3A_196 = tpu.vector_load_idx %arg11[%add3A_195] : memref<19456xi32, #tpu.memory_space<vmem>>[vector<16xi32>], vector<16xi32>,
        %gather3A_197 = tpu.vector_load_idx %arg10[%add3A_195] : memref<19456xi32, #tpu.memory_space<vmem>>[vector<16xi32>], vector<16xi32>,
        %gather3A_198 = tpu.vector_load_idx %arg8[%gather3A_196] : memref<10240xf32, #tpu.memory_space<vmem>>[vector<16xi32>], vector<16xf32>,
        %gather3A_199 = tpu.vector_load_idx %arg9[%gather3A_197] : memref<10240xf32, #tpu.memory_space<vmem>>[vector<16xi32>], vector<16xf32>,
        %add3A_200 = arith.addf %gather3A_198, %gather3A_199 : vector<16xf32>
        %ge3A_201 = arith.constant 0.000000e+00 : f32
        %ge3A_202 = vector.broadcast %ge3A_201 : f32 to vector<16xf32>
        %ge3A_203 = arith.cmpf oge, %add3A_200, %ge3A_202 : vector<16xf32>
        %mul3A_204 = arith.constant 2.000000e-01 : f32
        %mul3A_205 = vector.broadcast %mul3A_204 : f32 to vector<16xf32>
        %mul3A_206 = arith.mulf %add3A_200, %mul3A_205 : vector<16xf32>
        %select_n3A_207 = arith.select %ge3A_203, %add3A_200, %mul3A_206 : vector<16xi1>, vector<16xf32>
        %broadcast_in_dim3A = vector.broadcast %add3A_177 : i32 to vector<16xi32>
        %gather3A_208 = tpu.vector_load_idx %arg8[%broadcast_in_dim3A] : memref<10240xf32, #tpu.memory_space<vmem>>[vector<16xi32>], vector<16xf32>,
        %gather3A_209 = tpu.vector_load_idx %arg9[%broadcast_in_dim3A] : memref<10240xf32, #tpu.memory_space<vmem>>[vector<16xi32>], vector<16xf32>,
        %add3A_210 = arith.addf %gather3A_208, %gather3A_209 : vector<16xf32>
        %ge3A_211 = arith.constant 0.000000e+00 : f32
        %ge3A_212 = vector.broadcast %ge3A_211 : f32 to vector<16xf32>
        %ge3A_213 = arith.cmpf oge, %add3A_210, %ge3A_212 : vector<16xf32>
        %mul3A_214 = arith.constant 2.000000e-01 : f32
        %mul3A_215 = vector.broadcast %mul3A_214 : f32 to vector<16xf32>
        %mul3A_216 = arith.mulf %add3A_210, %mul3A_215 : vector<16xf32>
        %select_n3A_217 = arith.select %ge3A_213, %add3A_210, %mul3A_216 : vector<16xi1>, vector<16xf32>
        %jit3A_218 = arith.constant -1.000000e+30 : f32
        %broadcast_in_dim3A_219 = vector.broadcast %jit3A_218 : f32 to vector<16xf32>
        %select_n3A_220 = arith.select %eq3A_111, %select_n3A_217, %broadcast_in_dim3A_219 : vector<16xi1>, vector<16xf32>
        %max3A = arith.maximumf %select_n3A_191, %select_n3A_207 : vector<16xf32>
        %max3A_221 = arith.maximumf %max3A, %select_n3A_220 : vector<16xf32>
        %reduce_max3A = arith.constant true
        %reduce_max3A_222 = vector.broadcast %reduce_max3A : i1 to vector<16xi1>
        %reduce_max3A_223 = tpu.scan <max>, %max3A_221 masked %reduce_max3A_222 : vector<16xf32>, vector<16xi1> -> vector<16xf32>
        %reduce_max3A_224 = vector.extract %reduce_max3A_223[15] : f32 from vector<16xf32>
        %sub3A_225 = vector.broadcast %reduce_max3A_224 : f32 to vector<16xf32>
        %sub3A_226 = arith.subf %select_n3A_191, %sub3A_225 : vector<16xf32>
        %exp3A = math.exp %sub3A_226 : vector<16xf32>
        %sub3A_227 = vector.broadcast %reduce_max3A_224 : f32 to vector<16xf32>
        %sub3A_228 = arith.subf %select_n3A_207, %sub3A_227 : vector<16xf32>
        %exp3A_229 = math.exp %sub3A_228 : vector<16xf32>
        %sub3A_230 = vector.broadcast %reduce_max3A_224 : f32 to vector<16xf32>
        %sub3A_231 = arith.subf %select_n3A_220, %sub3A_230 : vector<16xf32>
        %exp3A_232 = math.exp %sub3A_231 : vector<16xf32>
        %add3A_233 = arith.addf %exp3A, %exp3A_229 : vector<16xf32>
        %add3A_234 = arith.addf %add3A_233, %exp3A_232 : vector<16xf32>
        %reduce_sum3A = arith.constant true
        %reduce_sum3A_235 = vector.broadcast %reduce_sum3A : i1 to vector<16xi1>
        %reduce_sum3A_236 = tpu.scan <sum>, %add3A_234 masked %reduce_sum3A_235 : vector<16xf32>, vector<16xi1> -> vector<16xf32>
        %reduce_sum3A_237 = vector.extract %reduce_sum3A_236[15] : f32 from vector<16xf32>
        %broadcast_in_dim3A_238 = arith.constant 1.000000e+00 : f32
        %broadcast_in_dim3A_239 = vector.broadcast %broadcast_in_dim3A_238 : f32 to vector<16xf32>
        %broadcast_in_dim3A_240 = vector.broadcast %reduce_sum3A_237 : f32 to vector<16xf32>
        %div3A_241 = arith.divf %broadcast_in_dim3A_239, %broadcast_in_dim3A_240 : vector<16xf32>
        %add3A_242 = vector.broadcast %mul3A_173 : i32 to vector<16xi32>
        %add3A_243 = arith.addi %add3A_242, %iota3A : vector<16xi32>
        %mul3A_244 = arith.mulf %exp3A, %div3A_241 : vector<16xf32>
        tpu.vector_store_idx %arg16[%add3A_243], %mul3A_244 : memref<256xf32, #tpu.memory_space<vmem>>[vector<16xi32>], vector<16xf32>,
        %add3A_245 = arith.constant 16 : i32
        %add3A_246 = arith.addi %mul3A_173, %add3A_245 : i32
        %add3A_247 = vector.broadcast %add3A_246 : i32 to vector<16xi32>
        %add3A_248 = arith.addi %add3A_247, %iota3A : vector<16xi32>
        %mul3A_249 = arith.mulf %exp3A_229, %div3A_241 : vector<16xf32>
        tpu.vector_store_idx %arg16[%add3A_248], %mul3A_249 : memref<256xf32, #tpu.memory_space<vmem>>[vector<16xi32>], vector<16xf32>,
        %broadcast_in_dim3A_250 = vector.broadcast %scan3A_166 : i32 to vector<16xi32>
        %mul3A_251 = arith.mulf %exp3A_232, %div3A_241 : vector<16xf32>
        tpu.vector_store_idx %arg17[%broadcast_in_dim3A_250], %mul3A_251 masked %eq3A_111 : memref<16xf32, #tpu.memory_space<vmem>>[vector<16xi32>], vector<16xf32>, vector<16xi1>
        %broadcast_in_dim3A_252 = arith.constant 0.000000e+00 : f32
        %broadcast_in_dim3A_253 = vector.broadcast %broadcast_in_dim3A_252 : f32 to vector<16xf32>
        %broadcast_in_dim3A_254 = arith.constant 0.000000e+00 : f32
        %broadcast_in_dim3A_255 = vector.broadcast %broadcast_in_dim3A_254 : f32 to vector<16xf32>
        %broadcast_in_dim3A_256 = arith.constant 0.000000e+00 : f32
        %broadcast_in_dim3A_257 = vector.broadcast %broadcast_in_dim3A_256 : f32 to vector<16xf32>
        %broadcast_in_dim3A_258 = arith.constant 0.000000e+00 : f32
        %broadcast_in_dim3A_259 = vector.broadcast %broadcast_in_dim3A_258 : f32 to vector<16xf32>
        %scan3A_260 = arith.constant 0 : i32
        %scan3A_261 = arith.constant 32 : i32
        %scan3A_262 = arith.addi %scan3A_260, %scan3A_261 : i32
        %scan3A_263 = arith.constant 1 : i32
        %scan3A_264:8 = scf.for %scan3A_369 = %scan3A_260 to %scan3A_262 step %scan3A_263 iter_args(%scan3A_370 = %broadcast_in_dim3A_253, %scan3A_371 = %broadcast_in_dim3A_255, %scan3A_372 = %broadcast_in_dim3A_257, %scan3A_373 = %broadcast_in_dim3A_259, %scan3A_374 = %broadcast_in_dim3A_253, %scan3A_375 = %broadcast_in_dim3A_255, %scan3A_376 = %broadcast_in_dim3A_257, %scan3A_377 = %broadcast_in_dim3A_259) -> (vector<16xf32>, vector<16xf32>, vector<16xf32>, vector<16xf32>, vector<16xf32>, vector<16xf32>, vector<16xf32>, vector<16xf32>)  : i32 {
          %add3A_378 = arith.addi %mul3A_173, %scan3A_369 : i32
          %broadcast_in_dim3A_379 = vector.broadcast %add3A_378 : i32 to vector<16xi32>
          %gather3A_380 = tpu.vector_load_idx %arg16[%broadcast_in_dim3A_379] : memref<256xf32, #tpu.memory_space<vmem>>[vector<16xi32>], vector<16xf32>,
          %add3A_381 = arith.constant 0 : i32
          %add3A_382 = vector.broadcast %add3A_381 : i32 to vector<16xi32>
          %add3A_383 = arith.addi %iota3A, %add3A_382 : vector<16xi32>
          %gather3A_384 = tpu.vector_load_idx %arg12[%broadcast_in_dim3A_379, %add3A_383] : memref<256x64xi32, #tpu.memory_space<vmem>>[vector<16xi32>, vector<16xi32>], vector<16xi32>,
          %bitcast3A_385 = vector.bitcast %gather3A_384 : vector<16xi32> to vector<32xbf16>
          %unpack3A_386 = tpu.unpack_subelements %bitcast3A_385, 0 {pack_format = #tpu.pack_format<interleaved>} : vector<32xbf16> -> vector<16xf32>
          %unpack3A_387 = tpu.unpack_subelements %bitcast3A_385, 1 {pack_format = #tpu.pack_format<interleaved>} : vector<32xbf16> -> vector<16xf32>
          %mul3A_388 = arith.mulf %gather3A_380, %unpack3A_386 : vector<16xf32>
          %add3A_389 = arith.addf %scan3A_370, %mul3A_388 : vector<16xf32>
          %mul3A_390 = arith.mulf %gather3A_380, %unpack3A_387 : vector<16xf32>
          %add3A_391 = arith.addf %scan3A_374, %mul3A_390 : vector<16xf32>
          %add3A_392 = arith.constant 16 : i32
          %add3A_393 = vector.broadcast %add3A_392 : i32 to vector<16xi32>
          %add3A_394 = arith.addi %iota3A, %add3A_393 : vector<16xi32>
          %gather3A_395 = tpu.vector_load_idx %arg12[%broadcast_in_dim3A_379, %add3A_394] : memref<256x64xi32, #tpu.memory_space<vmem>>[vector<16xi32>, vector<16xi32>], vector<16xi32>,
          %bitcast3A_396 = vector.bitcast %gather3A_395 : vector<16xi32> to vector<32xbf16>
          %unpack3A_397 = tpu.unpack_subelements %bitcast3A_396, 0 {pack_format = #tpu.pack_format<interleaved>} : vector<32xbf16> -> vector<16xf32>
          %unpack3A_398 = tpu.unpack_subelements %bitcast3A_396, 1 {pack_format = #tpu.pack_format<interleaved>} : vector<32xbf16> -> vector<16xf32>
          %mul3A_399 = arith.mulf %gather3A_380, %unpack3A_397 : vector<16xf32>
          %add3A_400 = arith.addf %scan3A_371, %mul3A_399 : vector<16xf32>
          %mul3A_401 = arith.mulf %gather3A_380, %unpack3A_398 : vector<16xf32>
          %add3A_402 = arith.addf %scan3A_375, %mul3A_401 : vector<16xf32>
          %add3A_403 = arith.constant 32 : i32
          %add3A_404 = vector.broadcast %add3A_403 : i32 to vector<16xi32>
          %add3A_405 = arith.addi %iota3A, %add3A_404 : vector<16xi32>
          %gather3A_406 = tpu.vector_load_idx %arg12[%broadcast_in_dim3A_379, %add3A_405] : memref<256x64xi32, #tpu.memory_space<vmem>>[vector<16xi32>, vector<16xi32>], vector<16xi32>,
          %bitcast3A_407 = vector.bitcast %gather3A_406 : vector<16xi32> to vector<32xbf16>
          %unpack3A_408 = tpu.unpack_subelements %bitcast3A_407, 0 {pack_format = #tpu.pack_format<interleaved>} : vector<32xbf16> -> vector<16xf32>
          %unpack3A_409 = tpu.unpack_subelements %bitcast3A_407, 1 {pack_format = #tpu.pack_format<interleaved>} : vector<32xbf16> -> vector<16xf32>
          %mul3A_410 = arith.mulf %gather3A_380, %unpack3A_408 : vector<16xf32>
          %add3A_411 = arith.addf %scan3A_372, %mul3A_410 : vector<16xf32>
          %mul3A_412 = arith.mulf %gather3A_380, %unpack3A_409 : vector<16xf32>
          %add3A_413 = arith.addf %scan3A_376, %mul3A_412 : vector<16xf32>
          %add3A_414 = arith.constant 48 : i32
          %add3A_415 = vector.broadcast %add3A_414 : i32 to vector<16xi32>
          %add3A_416 = arith.addi %iota3A, %add3A_415 : vector<16xi32>
          %gather3A_417 = tpu.vector_load_idx %arg12[%broadcast_in_dim3A_379, %add3A_416] : memref<256x64xi32, #tpu.memory_space<vmem>>[vector<16xi32>, vector<16xi32>], vector<16xi32>,
          %bitcast3A_418 = vector.bitcast %gather3A_417 : vector<16xi32> to vector<32xbf16>
          %unpack3A_419 = tpu.unpack_subelements %bitcast3A_418, 0 {pack_format = #tpu.pack_format<interleaved>} : vector<32xbf16> -> vector<16xf32>
          %unpack3A_420 = tpu.unpack_subelements %bitcast3A_418, 1 {pack_format = #tpu.pack_format<interleaved>} : vector<32xbf16> -> vector<16xf32>
          %mul3A_421 = arith.mulf %gather3A_380, %unpack3A_419 : vector<16xf32>
          %add3A_422 = arith.addf %scan3A_373, %mul3A_421 : vector<16xf32>
          %mul3A_423 = arith.mulf %gather3A_380, %unpack3A_420 : vector<16xf32>
          %add3A_424 = arith.addf %scan3A_377, %mul3A_423 : vector<16xf32>
          scf.yield %add3A_389, %add3A_400, %add3A_411, %add3A_422, %add3A_391, %add3A_402, %add3A_413, %add3A_424 : vector<16xf32>, vector<16xf32>, vector<16xf32>, vector<16xf32>, vector<16xf32>, vector<16xf32>, vector<16xf32>, vector<16xf32>
        }
        %scan3A_265 = arith.constant 32 : i32
        %gather3A_266 = tpu.vector_load_idx %arg17[%broadcast_in_dim3A_250] : memref<16xf32, #tpu.memory_space<vmem>>[vector<16xi32>], vector<16xf32>,
        %add3A_267 = arith.constant 0 : i32
        %add3A_268 = vector.broadcast %add3A_267 : i32 to vector<16xi32>
        %add3A_269 = arith.addi %iota3A, %add3A_268 : vector<16xi32>
        %gather3A_270 = tpu.vector_load_idx %arg14[%broadcast_in_dim3A_250, %add3A_269] : memref<8x64xi32, #tpu.memory_space<vmem>>[vector<16xi32>, vector<16xi32>], vector<16xi32>,
        %bitcast3A = vector.bitcast %gather3A_270 : vector<16xi32> to vector<32xbf16>
        %unpack3A = tpu.unpack_subelements %bitcast3A, 0 {pack_format = #tpu.pack_format<interleaved>} : vector<32xbf16> -> vector<16xf32>
        %unpack3A_271 = tpu.unpack_subelements %bitcast3A, 1 {pack_format = #tpu.pack_format<interleaved>} : vector<32xbf16> -> vector<16xf32>
        %mul3A_272 = arith.mulf %gather3A_266, %unpack3A : vector<16xf32>
        %add3A_273 = arith.addf %scan3A_264#0, %mul3A_272 : vector<16xf32>
        %mul3A_274 = arith.mulf %gather3A_266, %unpack3A_271 : vector<16xf32>
        %add3A_275 = arith.addf %scan3A_264#4, %mul3A_274 : vector<16xf32>
        %add3A_276 = arith.constant 16 : i32
        %add3A_277 = vector.broadcast %add3A_276 : i32 to vector<16xi32>
        %add3A_278 = arith.addi %iota3A, %add3A_277 : vector<16xi32>
        %gather3A_279 = tpu.vector_load_idx %arg14[%broadcast_in_dim3A_250, %add3A_278] : memref<8x64xi32, #tpu.memory_space<vmem>>[vector<16xi32>, vector<16xi32>], vector<16xi32>,
        %bitcast3A_280 = vector.bitcast %gather3A_279 : vector<16xi32> to vector<32xbf16>
        %unpack3A_281 = tpu.unpack_subelements %bitcast3A_280, 0 {pack_format = #tpu.pack_format<interleaved>} : vector<32xbf16> -> vector<16xf32>
        %unpack3A_282 = tpu.unpack_subelements %bitcast3A_280, 1 {pack_format = #tpu.pack_format<interleaved>} : vector<32xbf16> -> vector<16xf32>
        %mul3A_283 = arith.mulf %gather3A_266, %unpack3A_281 : vector<16xf32>
        %add3A_284 = arith.addf %scan3A_264#1, %mul3A_283 : vector<16xf32>
        %mul3A_285 = arith.mulf %gather3A_266, %unpack3A_282 : vector<16xf32>
        %add3A_286 = arith.addf %scan3A_264#5, %mul3A_285 : vector<16xf32>
        %add3A_287 = arith.constant 32 : i32
        %add3A_288 = vector.broadcast %add3A_287 : i32 to vector<16xi32>
        %add3A_289 = arith.addi %iota3A, %add3A_288 : vector<16xi32>
        %gather3A_290 = tpu.vector_load_idx %arg14[%broadcast_in_dim3A_250, %add3A_289] : memref<8x64xi32, #tpu.memory_space<vmem>>[vector<16xi32>, vector<16xi32>], vector<16xi32>,
        %bitcast3A_291 = vector.bitcast %gather3A_290 : vector<16xi32> to vector<32xbf16>
        %unpack3A_292 = tpu.unpack_subelements %bitcast3A_291, 0 {pack_format = #tpu.pack_format<interleaved>} : vector<32xbf16> -> vector<16xf32>
        %unpack3A_293 = tpu.unpack_subelements %bitcast3A_291, 1 {pack_format = #tpu.pack_format<interleaved>} : vector<32xbf16> -> vector<16xf32>
        %mul3A_294 = arith.mulf %gather3A_266, %unpack3A_292 : vector<16xf32>
        %add3A_295 = arith.addf %scan3A_264#2, %mul3A_294 : vector<16xf32>
        %mul3A_296 = arith.mulf %gather3A_266, %unpack3A_293 : vector<16xf32>
        %add3A_297 = arith.addf %scan3A_264#6, %mul3A_296 : vector<16xf32>
        %add3A_298 = arith.constant 48 : i32
        %add3A_299 = vector.broadcast %add3A_298 : i32 to vector<16xi32>
        %add3A_300 = arith.addi %iota3A, %add3A_299 : vector<16xi32>
        %gather3A_301 = tpu.vector_load_idx %arg14[%broadcast_in_dim3A_250, %add3A_300] : memref<8x64xi32, #tpu.memory_space<vmem>>[vector<16xi32>, vector<16xi32>], vector<16xi32>,
        %bitcast3A_302 = vector.bitcast %gather3A_301 : vector<16xi32> to vector<32xbf16>
        %unpack3A_303 = tpu.unpack_subelements %bitcast3A_302, 0 {pack_format = #tpu.pack_format<interleaved>} : vector<32xbf16> -> vector<16xf32>
        %unpack3A_304 = tpu.unpack_subelements %bitcast3A_302, 1 {pack_format = #tpu.pack_format<interleaved>} : vector<32xbf16> -> vector<16xf32>
        %mul3A_305 = arith.mulf %gather3A_266, %unpack3A_303 : vector<16xf32>
        %add3A_306 = arith.addf %scan3A_264#3, %mul3A_305 : vector<16xf32>
        %mul3A_307 = arith.mulf %gather3A_266, %unpack3A_304 : vector<16xf32>
        %add3A_308 = arith.addf %scan3A_264#7, %mul3A_307 : vector<16xf32>
        %mul3A_309 = arith.constant 2 : i32
        %mul3A_310 = vector.broadcast %mul3A_309 : i32 to vector<16xi32>
        %mul3A_311 = arith.muli %mul3A_310, %iota3A : vector<16xi32>
        %add3A_312 = arith.constant 0 : i32
        %add3A_313 = vector.broadcast %add3A_312 : i32 to vector<16xi32>
        %add3A_314 = arith.addi %mul3A_311, %add3A_313 : vector<16xi32>
        tpu.vector_store_idx %arg18[%broadcast_in_dim3A_250, %add3A_314], %add3A_273 : memref<8x128xf32, #tpu.memory_space<vmem>>[vector<16xi32>, vector<16xi32>], vector<16xf32>,
        %mul3A_315 = arith.constant 2 : i32
        %mul3A_316 = vector.broadcast %mul3A_315 : i32 to vector<16xi32>
        %mul3A_317 = arith.muli %mul3A_316, %iota3A : vector<16xi32>
        %add3A_318 = arith.constant 0 : i32
        %add3A_319 = vector.broadcast %add3A_318 : i32 to vector<16xi32>
        %add3A_320 = arith.addi %mul3A_317, %add3A_319 : vector<16xi32>
        %add3A_321 = arith.constant 1 : i32
        %add3A_322 = vector.broadcast %add3A_321 : i32 to vector<16xi32>
        %add3A_323 = arith.addi %add3A_320, %add3A_322 : vector<16xi32>
        tpu.vector_store_idx %arg18[%broadcast_in_dim3A_250, %add3A_323], %add3A_275 : memref<8x128xf32, #tpu.memory_space<vmem>>[vector<16xi32>, vector<16xi32>], vector<16xf32>,
        %mul3A_324 = arith.constant 2 : i32
        %mul3A_325 = vector.broadcast %mul3A_324 : i32 to vector<16xi32>
        %mul3A_326 = arith.muli %mul3A_325, %iota3A : vector<16xi32>
        %add3A_327 = arith.constant 32 : i32
        %add3A_328 = vector.broadcast %add3A_327 : i32 to vector<16xi32>
        %add3A_329 = arith.addi %mul3A_326, %add3A_328 : vector<16xi32>
        tpu.vector_store_idx %arg18[%broadcast_in_dim3A_250, %add3A_329], %add3A_284 : memref<8x128xf32, #tpu.memory_space<vmem>>[vector<16xi32>, vector<16xi32>], vector<16xf32>,
        %mul3A_330 = arith.constant 2 : i32
        %mul3A_331 = vector.broadcast %mul3A_330 : i32 to vector<16xi32>
        %mul3A_332 = arith.muli %mul3A_331, %iota3A : vector<16xi32>
        %add3A_333 = arith.constant 32 : i32
        %add3A_334 = vector.broadcast %add3A_333 : i32 to vector<16xi32>
        %add3A_335 = arith.addi %mul3A_332, %add3A_334 : vector<16xi32>
        %add3A_336 = arith.constant 1 : i32
        %add3A_337 = vector.broadcast %add3A_336 : i32 to vector<16xi32>
        %add3A_338 = arith.addi %add3A_335, %add3A_337 : vector<16xi32>
        tpu.vector_store_idx %arg18[%broadcast_in_dim3A_250, %add3A_338], %add3A_286 : memref<8x128xf32, #tpu.memory_space<vmem>>[vector<16xi32>, vector<16xi32>], vector<16xf32>,
        %mul3A_339 = arith.constant 2 : i32
        %mul3A_340 = vector.broadcast %mul3A_339 : i32 to vector<16xi32>
        %mul3A_341 = arith.muli %mul3A_340, %iota3A : vector<16xi32>
        %add3A_342 = arith.constant 64 : i32
        %add3A_343 = vector.broadcast %add3A_342 : i32 to vector<16xi32>
        %add3A_344 = arith.addi %mul3A_341, %add3A_343 : vector<16xi32>
        tpu.vector_store_idx %arg18[%broadcast_in_dim3A_250, %add3A_344], %add3A_295 : memref<8x128xf32, #tpu.memory_space<vmem>>[vector<16xi32>, vector<16xi32>], vector<16xf32>,
        %mul3A_345 = arith.constant 2 : i32
        %mul3A_346 = vector.broadcast %mul3A_345 : i32 to vector<16xi32>
        %mul3A_347 = arith.muli %mul3A_346, %iota3A : vector<16xi32>
        %add3A_348 = arith.constant 64 : i32
        %add3A_349 = vector.broadcast %add3A_348 : i32 to vector<16xi32>
        %add3A_350 = arith.addi %mul3A_347, %add3A_349 : vector<16xi32>
        %add3A_351 = arith.constant 1 : i32
        %add3A_352 = vector.broadcast %add3A_351 : i32 to vector<16xi32>
        %add3A_353 = arith.addi %add3A_350, %add3A_352 : vector<16xi32>
        tpu.vector_store_idx %arg18[%broadcast_in_dim3A_250, %add3A_353], %add3A_297 : memref<8x128xf32, #tpu.memory_space<vmem>>[vector<16xi32>, vector<16xi32>], vector<16xf32>,
        %mul3A_354 = arith.constant 2 : i32
        %mul3A_355 = vector.broadcast %mul3A_354 : i32 to vector<16xi32>
        %mul3A_356 = arith.muli %mul3A_355, %iota3A : vector<16xi32>
        %add3A_357 = arith.constant 96 : i32
        %add3A_358 = vector.broadcast %add3A_357 : i32 to vector<16xi32>
        %add3A_359 = arith.addi %mul3A_356, %add3A_358 : vector<16xi32>
        tpu.vector_store_idx %arg18[%broadcast_in_dim3A_250, %add3A_359], %add3A_306 : memref<8x128xf32, #tpu.memory_space<vmem>>[vector<16xi32>, vector<16xi32>], vector<16xf32>,
        %mul3A_360 = arith.constant 2 : i32
        %mul3A_361 = vector.broadcast %mul3A_360 : i32 to vector<16xi32>
        %mul3A_362 = arith.muli %mul3A_361, %iota3A : vector<16xi32>
        %add3A_363 = arith.constant 96 : i32
        %add3A_364 = vector.broadcast %add3A_363 : i32 to vector<16xi32>
        %add3A_365 = arith.addi %mul3A_362, %add3A_364 : vector<16xi32>
        %add3A_366 = arith.constant 1 : i32
        %add3A_367 = vector.broadcast %add3A_366 : i32 to vector<16xi32>
        %add3A_368 = arith.addi %add3A_365, %add3A_367 : vector<16xi32>
        tpu.vector_store_idx %arg18[%broadcast_in_dim3A_250, %add3A_368], %add3A_308 : memref<8x128xf32, #tpu.memory_space<vmem>>[vector<16xi32>, vector<16xi32>], vector<16xf32>,
      }
      %scan3A_116 = arith.constant 8 : i32
      %mul3A_117 = arith.constant 8 : i32
      %mul3A_118 = arith.muli %mul3A_72, %mul3A_117 : i32
      %add3A_119 = arith.addi %select_n3A, %mul3A_118 : i32
      %dma_start3A_120 = arith.constant 0 : i32
      %dma_start3A_121 = tpu.memref_slice %arg7[%add3A_119, %dma_start3A_120] : memref<10240x128xf32, #tpu.memory_space<hbm>> -> memref<8x128xf32, #tpu.memory_space<hbm>>
      %dma_start3A_122 = arith.constant 0 : i32
      %dma_start3A_123 = tpu.memref_slice %arg7[%add3A_119, %dma_start3A_122] : memref<10240x128xf32, #tpu.memory_space<hbm>> -> memref<8x128xf32, #tpu.memory_space<hbm>>
      tpu.enqueue_dma source(%arg18 : memref<8x128xf32, #tpu.memory_space<vmem>>) target(%dma_start3A_123 : memref<8x128xf32, #tpu.memory_space<hbm>>) target_semaphore(%arg22 : memref<!tpu.dma_semaphore, #tpu.memory_space<semaphore_mem>>)
      %add3A_124 = arith.constant 1 : i32
      %add3A_125 = arith.addi %add3A_74, %add3A_124 : i32
      %lt3A = arith.cmpi slt, %add3A_125, %select_n3A_6 : i32
      %convert_element_type3A_126 = arith.extui %lt3A : i1 to i32
      %cond3A_127 = arith.constant 0 : i32
      %cond3A_128 = arith.cmpi ne, %convert_element_type3A_126, %cond3A_127 : i32
      scf.if %cond3A_128 {
        %add3A_166 = arith.constant 1 : i32
        %add3A_167 = arith.addi %add3A_74, %add3A_166 : i32
        %mul3A_168 = arith.constant 256 : i32
        %mul3A_169 = arith.muli %add3A_167, %mul3A_168 : i32
        %multiple_of3A_170 = tpu.assume_multiple %mul3A_169, 8 : i32
        %mul3A_171 = arith.constant 8 : i32
        %mul3A_172 = arith.muli %add3A_167, %mul3A_171 : i32
        %add3A_173 = arith.addi %select_n3A, %mul3A_172 : i32
        %multiple_of3A_174 = tpu.assume_multiple %add3A_173, 8 : i32
        %dma_start3A_175 = tpu.memref_slice %arg10[%multiple_of3A_170] : memref<19456xi32, #tpu.memory_space<vmem>> -> memref<256xi32, #tpu.memory_space<vmem>>
        %dma_start3A_176 = arith.constant 0 : i32
        %dma_start3A_177 = arith.constant 0 : i32
        %dma_start3A_178 = tpu.memref_slice %arg2[%dma_start3A_176, %dma_start3A_177] : memref<10240x64xi32, #tpu.memory_space<hbm>> -> memref<10240x64xi32, #tpu.memory_space<hbm>>
        tpu.enqueue_indirect_dma source(%dma_start3A_178 : memref<10240x64xi32, #tpu.memory_space<hbm>>) target(%arg12 : memref<256x64xi32, #tpu.memory_space<vmem>>) offsets(%dma_start3A_175 : memref<256xi32, #tpu.memory_space<vmem>>) semaphore(%arg20 : memref<!tpu.dma_semaphore, #tpu.memory_space<semaphore_mem>>)
        %dma_start3A_179 = arith.constant 0 : i32
        %dma_start3A_180 = tpu.memref_slice %arg2[%multiple_of3A_174, %dma_start3A_179] : memref<10240x64xi32, #tpu.memory_space<hbm>> -> memref<8x64xi32, #tpu.memory_space<hbm>>
        %dma_start3A_181 = arith.constant 0 : i32
        %dma_start3A_182 = tpu.memref_slice %arg2[%multiple_of3A_174, %dma_start3A_181] : memref<10240x64xi32, #tpu.memory_space<hbm>> -> memref<8x64xi32, #tpu.memory_space<hbm>>
        tpu.enqueue_dma source(%dma_start3A_182 : memref<8x64xi32, #tpu.memory_space<hbm>>) target(%arg14 : memref<8x64xi32, #tpu.memory_space<vmem>>) target_semaphore(%arg20 : memref<!tpu.dma_semaphore, #tpu.memory_space<semaphore_mem>>)
      } else {
      }
      %mul3A_129 = arith.constant 256 : i32
      %mul3A_130 = arith.muli %add3A_74, %mul3A_129 : i32
      %multiple_of3A_131 = tpu.assume_multiple %mul3A_130, 8 : i32
      %mul3A_132 = arith.constant 8 : i32
      %mul3A_133 = arith.muli %add3A_74, %mul3A_132 : i32
      %add3A_134 = arith.addi %select_n3A, %mul3A_133 : i32
      %multiple_of3A_135 = tpu.assume_multiple %add3A_134, 8 : i32
      %dma_wait3A_136 = tpu.memref_slice %arg10[%multiple_of3A_131] : memref<19456xi32, #tpu.memory_space<vmem>> -> memref<256xi32, #tpu.memory_space<vmem>>
      %dma_wait3A_137 = arith.constant 0 : i32
      %dma_wait3A_138 = arith.constant 0 : i32
      %dma_wait3A_139 = tpu.memref_slice %arg2[%dma_wait3A_137, %dma_wait3A_138] : memref<10240x64xi32, #tpu.memory_space<hbm>> -> memref<10240x64xi32, #tpu.memory_space<hbm>>
      tpu.wait_indirect_dma semaphore(%arg21 : memref<!tpu.dma_semaphore, #tpu.memory_space<semaphore_mem>>) src(%dma_wait3A_139 : memref<10240x64xi32, #tpu.memory_space<hbm>>) dst(%arg13 : memref<256x64xi32, #tpu.memory_space<vmem>>)
      %dma_wait3A_140 = arith.constant 0 : i32
      %dma_wait3A_141 = tpu.memref_slice %arg2[%multiple_of3A_135, %dma_wait3A_140] : memref<10240x64xi32, #tpu.memory_space<hbm>> -> memref<8x64xi32, #tpu.memory_space<hbm>>
      %dma_wait3A_142 = arith.constant 0 : i32
      %dma_wait3A_143 = tpu.memref_slice %arg2[%multiple_of3A_135, %dma_wait3A_142] : memref<10240x64xi32, #tpu.memory_space<hbm>> -> memref<8x64xi32, #tpu.memory_space<hbm>>
      tpu.wait_dma2 semaphore(%arg21 : memref<!tpu.dma_semaphore, #tpu.memory_space<semaphore_mem>>) src(%dma_wait3A_143 : memref<8x64xi32, #tpu.memory_space<hbm>>) dst(%arg15 : memref<8x64xi32, #tpu.memory_space<vmem>>)
      %gt3A_144 = arith.constant 0 : i32
      %gt3A_145 = arith.cmpi sgt, %while3A_70, %gt3A_144 : i32
      %convert_element_type3A_146 = arith.extui %gt3A_145 : i1 to i32
      %cond3A_147 = arith.constant 0 : i32
      %cond3A_148 = arith.cmpi ne, %convert_element_type3A_146, %cond3A_147 : i32
      scf.if %cond3A_148 {
        %mul3A_166 = arith.constant 8 : i32
        %mul3A_167 = arith.muli %add3A_74, %mul3A_166 : i32
        %add3A_168 = arith.addi %select_n3A, %mul3A_167 : i32
        %dma_wait3A_169 = arith.constant 0 : i32
        %dma_wait3A_170 = tpu.memref_slice %arg7[%add3A_168, %dma_wait3A_169] : memref<10240x128xf32, #tpu.memory_space<hbm>> -> memref<8x128xf32, #tpu.memory_space<hbm>>
        %dma_wait3A_171 = arith.constant 0 : i32
        %dma_wait3A_172 = tpu.memref_slice %arg7[%add3A_168, %dma_wait3A_171] : memref<10240x128xf32, #tpu.memory_space<hbm>> -> memref<8x128xf32, #tpu.memory_space<hbm>>
        tpu.wait_dma2 semaphore(%arg23 : memref<!tpu.dma_semaphore, #tpu.memory_space<semaphore_mem>>) src(%arg19 : memref<8x128xf32, #tpu.memory_space<vmem>>) dst(%dma_wait3A_172 : memref<8x128xf32, #tpu.memory_space<hbm>>)
      } else {
      }
      %iota3A_149 = tpu.iota {dimensions = array<i32: 0>} : vector<16xi32>
      %eq3A_150 = arith.constant 0 : i32
      %eq3A_151 = vector.broadcast %eq3A_150 : i32 to vector<16xi32>
      %eq3A_152 = arith.cmpi eq, %iota3A_149, %eq3A_151 : vector<16xi32>
      %scan3A_153 = arith.constant 0 : i32
      %scan3A_154 = arith.constant 0 : i32
      %scan3A_155 = arith.constant 8 : i32
      %scan3A_156 = arith.addi %scan3A_154, %scan3A_155 : i32
      %scan3A_157 = arith.constant 1 : i32
      scf.for %scan3A_166 = %scan3A_154 to %scan3A_156 step %scan3A_157  : i32 {
        %mul3A_167 = arith.constant 8 : i32
        %mul3A_168 = arith.muli %add3A_74, %mul3A_167 : i32
        %add3A_169 = arith.addi %mul3A_168, %scan3A_166 : i32
        %mul3A_170 = arith.constant 32 : i32
        %mul3A_171 = arith.muli %add3A_169, %mul3A_170 : i32
        %mul3A_172 = arith.constant 32 : i32
        %mul3A_173 = arith.muli %scan3A_166, %mul3A_172 : i32
        %mul3A_174 = arith.constant 8 : i32
        %mul3A_175 = arith.muli %add3A_74, %mul3A_174 : i32
        %add3A_176 = arith.addi %select_n3A, %mul3A_175 : i32
        %add3A_177 = arith.addi %add3A_176, %scan3A_166 : i32
        %add3A_178 = arith.constant 0 : i32
        %add3A_179 = arith.addi %mul3A_171, %add3A_178 : i32
        %add3A_180 = vector.broadcast %add3A_179 : i32 to vector<16xi32>
        %add3A_181 = arith.addi %add3A_180, %iota3A_149 : vector<16xi32>
        %gather3A = tpu.vector_load_idx %arg11[%add3A_181] : memref<19456xi32, #tpu.memory_space<vmem>>[vector<16xi32>], vector<16xi32>,
        %gather3A_182 = tpu.vector_load_idx %arg10[%add3A_181] : memref<19456xi32, #tpu.memory_space<vmem>>[vector<16xi32>], vector<16xi32>,
        %gather3A_183 = tpu.vector_load_idx %arg8[%gather3A] : memref<10240xf32, #tpu.memory_space<vmem>>[vector<16xi32>], vector<16xf32>,
        %gather3A_184 = tpu.vector_load_idx %arg9[%gather3A_182] : memref<10240xf32, #tpu.memory_space<vmem>>[vector<16xi32>], vector<16xf32>,
        %add3A_185 = arith.addf %gather3A_183, %gather3A_184 : vector<16xf32>
        %ge3A = arith.constant 0.000000e+00 : f32
        %ge3A_186 = vector.broadcast %ge3A : f32 to vector<16xf32>
        %ge3A_187 = arith.cmpf oge, %add3A_185, %ge3A_186 : vector<16xf32>
        %mul3A_188 = arith.constant 2.000000e-01 : f32
        %mul3A_189 = vector.broadcast %mul3A_188 : f32 to vector<16xf32>
        %mul3A_190 = arith.mulf %add3A_185, %mul3A_189 : vector<16xf32>
        %select_n3A_191 = arith.select %ge3A_187, %add3A_185, %mul3A_190 : vector<16xi1>, vector<16xf32>
        %add3A_192 = arith.constant 16 : i32
        %add3A_193 = arith.addi %mul3A_171, %add3A_192 : i32
        %add3A_194 = vector.broadcast %add3A_193 : i32 to vector<16xi32>
        %add3A_195 = arith.addi %add3A_194, %iota3A_149 : vector<16xi32>
        %gather3A_196 = tpu.vector_load_idx %arg11[%add3A_195] : memref<19456xi32, #tpu.memory_space<vmem>>[vector<16xi32>], vector<16xi32>,
        %gather3A_197 = tpu.vector_load_idx %arg10[%add3A_195] : memref<19456xi32, #tpu.memory_space<vmem>>[vector<16xi32>], vector<16xi32>,
        %gather3A_198 = tpu.vector_load_idx %arg8[%gather3A_196] : memref<10240xf32, #tpu.memory_space<vmem>>[vector<16xi32>], vector<16xf32>,
        %gather3A_199 = tpu.vector_load_idx %arg9[%gather3A_197] : memref<10240xf32, #tpu.memory_space<vmem>>[vector<16xi32>], vector<16xf32>,
        %add3A_200 = arith.addf %gather3A_198, %gather3A_199 : vector<16xf32>
        %ge3A_201 = arith.constant 0.000000e+00 : f32
        %ge3A_202 = vector.broadcast %ge3A_201 : f32 to vector<16xf32>
        %ge3A_203 = arith.cmpf oge, %add3A_200, %ge3A_202 : vector<16xf32>
        %mul3A_204 = arith.constant 2.000000e-01 : f32
        %mul3A_205 = vector.broadcast %mul3A_204 : f32 to vector<16xf32>
        %mul3A_206 = arith.mulf %add3A_200, %mul3A_205 : vector<16xf32>
        %select_n3A_207 = arith.select %ge3A_203, %add3A_200, %mul3A_206 : vector<16xi1>, vector<16xf32>
        %broadcast_in_dim3A = vector.broadcast %add3A_177 : i32 to vector<16xi32>
        %gather3A_208 = tpu.vector_load_idx %arg8[%broadcast_in_dim3A] : memref<10240xf32, #tpu.memory_space<vmem>>[vector<16xi32>], vector<16xf32>,
        %gather3A_209 = tpu.vector_load_idx %arg9[%broadcast_in_dim3A] : memref<10240xf32, #tpu.memory_space<vmem>>[vector<16xi32>], vector<16xf32>,
        %add3A_210 = arith.addf %gather3A_208, %gather3A_209 : vector<16xf32>
        %ge3A_211 = arith.constant 0.000000e+00 : f32
        %ge3A_212 = vector.broadcast %ge3A_211 : f32 to vector<16xf32>
        %ge3A_213 = arith.cmpf oge, %add3A_210, %ge3A_212 : vector<16xf32>
        %mul3A_214 = arith.constant 2.000000e-01 : f32
        %mul3A_215 = vector.broadcast %mul3A_214 : f32 to vector<16xf32>
        %mul3A_216 = arith.mulf %add3A_210, %mul3A_215 : vector<16xf32>
        %select_n3A_217 = arith.select %ge3A_213, %add3A_210, %mul3A_216 : vector<16xi1>, vector<16xf32>
        %jit3A_218 = arith.constant -1.000000e+30 : f32
        %broadcast_in_dim3A_219 = vector.broadcast %jit3A_218 : f32 to vector<16xf32>
        %select_n3A_220 = arith.select %eq3A_152, %select_n3A_217, %broadcast_in_dim3A_219 : vector<16xi1>, vector<16xf32>
        %max3A = arith.maximumf %select_n3A_191, %select_n3A_207 : vector<16xf32>
        %max3A_221 = arith.maximumf %max3A, %select_n3A_220 : vector<16xf32>
        %reduce_max3A = arith.constant true
        %reduce_max3A_222 = vector.broadcast %reduce_max3A : i1 to vector<16xi1>
        %reduce_max3A_223 = tpu.scan <max>, %max3A_221 masked %reduce_max3A_222 : vector<16xf32>, vector<16xi1> -> vector<16xf32>
        %reduce_max3A_224 = vector.extract %reduce_max3A_223[15] : f32 from vector<16xf32>
        %sub3A_225 = vector.broadcast %reduce_max3A_224 : f32 to vector<16xf32>
        %sub3A_226 = arith.subf %select_n3A_191, %sub3A_225 : vector<16xf32>
        %exp3A = math.exp %sub3A_226 : vector<16xf32>
        %sub3A_227 = vector.broadcast %reduce_max3A_224 : f32 to vector<16xf32>
        %sub3A_228 = arith.subf %select_n3A_207, %sub3A_227 : vector<16xf32>
        %exp3A_229 = math.exp %sub3A_228 : vector<16xf32>
        %sub3A_230 = vector.broadcast %reduce_max3A_224 : f32 to vector<16xf32>
        %sub3A_231 = arith.subf %select_n3A_220, %sub3A_230 : vector<16xf32>
        %exp3A_232 = math.exp %sub3A_231 : vector<16xf32>
        %add3A_233 = arith.addf %exp3A, %exp3A_229 : vector<16xf32>
        %add3A_234 = arith.addf %add3A_233, %exp3A_232 : vector<16xf32>
        %reduce_sum3A = arith.constant true
        %reduce_sum3A_235 = vector.broadcast %reduce_sum3A : i1 to vector<16xi1>
        %reduce_sum3A_236 = tpu.scan <sum>, %add3A_234 masked %reduce_sum3A_235 : vector<16xf32>, vector<16xi1> -> vector<16xf32>
        %reduce_sum3A_237 = vector.extract %reduce_sum3A_236[15] : f32 from vector<16xf32>
        %broadcast_in_dim3A_238 = arith.constant 1.000000e+00 : f32
        %broadcast_in_dim3A_239 = vector.broadcast %broadcast_in_dim3A_238 : f32 to vector<16xf32>
        %broadcast_in_dim3A_240 = vector.broadcast %reduce_sum3A_237 : f32 to vector<16xf32>
        %div3A_241 = arith.divf %broadcast_in_dim3A_239, %broadcast_in_dim3A_240 : vector<16xf32>
        %add3A_242 = vector.broadcast %mul3A_173 : i32 to vector<16xi32>
        %add3A_243 = arith.addi %add3A_242, %iota3A_149 : vector<16xi32>
        %mul3A_244 = arith.mulf %exp3A, %div3A_241 : vector<16xf32>
        tpu.vector_store_idx %arg16[%add3A_243], %mul3A_244 : memref<256xf32, #tpu.memory_space<vmem>>[vector<16xi32>], vector<16xf32>,
        %add3A_245 = arith.constant 16 : i32
        %add3A_246 = arith.addi %mul3A_173, %add3A_245 : i32
        %add3A_247 = vector.broadcast %add3A_246 : i32 to vector<16xi32>
        %add3A_248 = arith.addi %add3A_247, %iota3A_149 : vector<16xi32>
        %mul3A_249 = arith.mulf %exp3A_229, %div3A_241 : vector<16xf32>
        tpu.vector_store_idx %arg16[%add3A_248], %mul3A_249 : memref<256xf32, #tpu.memory_space<vmem>>[vector<16xi32>], vector<16xf32>,
        %broadcast_in_dim3A_250 = vector.broadcast %scan3A_166 : i32 to vector<16xi32>
        %mul3A_251 = arith.mulf %exp3A_232, %div3A_241 : vector<16xf32>
        tpu.vector_store_idx %arg17[%broadcast_in_dim3A_250], %mul3A_251 masked %eq3A_152 : memref<16xf32, #tpu.memory_space<vmem>>[vector<16xi32>], vector<16xf32>, vector<16xi1>
        %broadcast_in_dim3A_252 = arith.constant 0.000000e+00 : f32
        %broadcast_in_dim3A_253 = vector.broadcast %broadcast_in_dim3A_252 : f32 to vector<16xf32>
        %broadcast_in_dim3A_254 = arith.constant 0.000000e+00 : f32
        %broadcast_in_dim3A_255 = vector.broadcast %broadcast_in_dim3A_254 : f32 to vector<16xf32>
        %broadcast_in_dim3A_256 = arith.constant 0.000000e+00 : f32
        %broadcast_in_dim3A_257 = vector.broadcast %broadcast_in_dim3A_256 : f32 to vector<16xf32>
        %broadcast_in_dim3A_258 = arith.constant 0.000000e+00 : f32
        %broadcast_in_dim3A_259 = vector.broadcast %broadcast_in_dim3A_258 : f32 to vector<16xf32>
        %scan3A_260 = arith.constant 0 : i32
        %scan3A_261 = arith.constant 32 : i32
        %scan3A_262 = arith.addi %scan3A_260, %scan3A_261 : i32
        %scan3A_263 = arith.constant 1 : i32
        %scan3A_264:8 = scf.for %scan3A_369 = %scan3A_260 to %scan3A_262 step %scan3A_263 iter_args(%scan3A_370 = %broadcast_in_dim3A_253, %scan3A_371 = %broadcast_in_dim3A_255, %scan3A_372 = %broadcast_in_dim3A_257, %scan3A_373 = %broadcast_in_dim3A_259, %scan3A_374 = %broadcast_in_dim3A_253, %scan3A_375 = %broadcast_in_dim3A_255, %scan3A_376 = %broadcast_in_dim3A_257, %scan3A_377 = %broadcast_in_dim3A_259) -> (vector<16xf32>, vector<16xf32>, vector<16xf32>, vector<16xf32>, vector<16xf32>, vector<16xf32>, vector<16xf32>, vector<16xf32>)  : i32 {
          %add3A_378 = arith.addi %mul3A_173, %scan3A_369 : i32
          %broadcast_in_dim3A_379 = vector.broadcast %add3A_378 : i32 to vector<16xi32>
          %gather3A_380 = tpu.vector_load_idx %arg16[%broadcast_in_dim3A_379] : memref<256xf32, #tpu.memory_space<vmem>>[vector<16xi32>], vector<16xf32>,
          %add3A_381 = arith.constant 0 : i32
          %add3A_382 = vector.broadcast %add3A_381 : i32 to vector<16xi32>
          %add3A_383 = arith.addi %iota3A_149, %add3A_382 : vector<16xi32>
          %gather3A_384 = tpu.vector_load_idx %arg13[%broadcast_in_dim3A_379, %add3A_383] : memref<256x64xi32, #tpu.memory_space<vmem>>[vector<16xi32>, vector<16xi32>], vector<16xi32>,
          %bitcast3A_385 = vector.bitcast %gather3A_384 : vector<16xi32> to vector<32xbf16>
          %unpack3A_386 = tpu.unpack_subelements %bitcast3A_385, 0 {pack_format = #tpu.pack_format<interleaved>} : vector<32xbf16> -> vector<16xf32>
          %unpack3A_387 = tpu.unpack_subelements %bitcast3A_385, 1 {pack_format = #tpu.pack_format<interleaved>} : vector<32xbf16> -> vector<16xf32>
          %mul3A_388 = arith.mulf %gather3A_380, %unpack3A_386 : vector<16xf32>
          %add3A_389 = arith.addf %scan3A_370, %mul3A_388 : vector<16xf32>
          %mul3A_390 = arith.mulf %gather3A_380, %unpack3A_387 : vector<16xf32>
          %add3A_391 = arith.addf %scan3A_374, %mul3A_390 : vector<16xf32>
          %add3A_392 = arith.constant 16 : i32
          %add3A_393 = vector.broadcast %add3A_392 : i32 to vector<16xi32>
          %add3A_394 = arith.addi %iota3A_149, %add3A_393 : vector<16xi32>
          %gather3A_395 = tpu.vector_load_idx %arg13[%broadcast_in_dim3A_379, %add3A_394] : memref<256x64xi32, #tpu.memory_space<vmem>>[vector<16xi32>, vector<16xi32>], vector<16xi32>,
          %bitcast3A_396 = vector.bitcast %gather3A_395 : vector<16xi32> to vector<32xbf16>
          %unpack3A_397 = tpu.unpack_subelements %bitcast3A_396, 0 {pack_format = #tpu.pack_format<interleaved>} : vector<32xbf16> -> vector<16xf32>
          %unpack3A_398 = tpu.unpack_subelements %bitcast3A_396, 1 {pack_format = #tpu.pack_format<interleaved>} : vector<32xbf16> -> vector<16xf32>
          %mul3A_399 = arith.mulf %gather3A_380, %unpack3A_397 : vector<16xf32>
          %add3A_400 = arith.addf %scan3A_371, %mul3A_399 : vector<16xf32>
          %mul3A_401 = arith.mulf %gather3A_380, %unpack3A_398 : vector<16xf32>
          %add3A_402 = arith.addf %scan3A_375, %mul3A_401 : vector<16xf32>
          %add3A_403 = arith.constant 32 : i32
          %add3A_404 = vector.broadcast %add3A_403 : i32 to vector<16xi32>
          %add3A_405 = arith.addi %iota3A_149, %add3A_404 : vector<16xi32>
          %gather3A_406 = tpu.vector_load_idx %arg13[%broadcast_in_dim3A_379, %add3A_405] : memref<256x64xi32, #tpu.memory_space<vmem>>[vector<16xi32>, vector<16xi32>], vector<16xi32>,
          %bitcast3A_407 = vector.bitcast %gather3A_406 : vector<16xi32> to vector<32xbf16>
          %unpack3A_408 = tpu.unpack_subelements %bitcast3A_407, 0 {pack_format = #tpu.pack_format<interleaved>} : vector<32xbf16> -> vector<16xf32>
          %unpack3A_409 = tpu.unpack_subelements %bitcast3A_407, 1 {pack_format = #tpu.pack_format<interleaved>} : vector<32xbf16> -> vector<16xf32>
          %mul3A_410 = arith.mulf %gather3A_380, %unpack3A_408 : vector<16xf32>
          %add3A_411 = arith.addf %scan3A_372, %mul3A_410 : vector<16xf32>
          %mul3A_412 = arith.mulf %gather3A_380, %unpack3A_409 : vector<16xf32>
          %add3A_413 = arith.addf %scan3A_376, %mul3A_412 : vector<16xf32>
          %add3A_414 = arith.constant 48 : i32
          %add3A_415 = vector.broadcast %add3A_414 : i32 to vector<16xi32>
          %add3A_416 = arith.addi %iota3A_149, %add3A_415 : vector<16xi32>
          %gather3A_417 = tpu.vector_load_idx %arg13[%broadcast_in_dim3A_379, %add3A_416] : memref<256x64xi32, #tpu.memory_space<vmem>>[vector<16xi32>, vector<16xi32>], vector<16xi32>,
          %bitcast3A_418 = vector.bitcast %gather3A_417 : vector<16xi32> to vector<32xbf16>
          %unpack3A_419 = tpu.unpack_subelements %bitcast3A_418, 0 {pack_format = #tpu.pack_format<interleaved>} : vector<32xbf16> -> vector<16xf32>
          %unpack3A_420 = tpu.unpack_subelements %bitcast3A_418, 1 {pack_format = #tpu.pack_format<interleaved>} : vector<32xbf16> -> vector<16xf32>
          %mul3A_421 = arith.mulf %gather3A_380, %unpack3A_419 : vector<16xf32>
          %add3A_422 = arith.addf %scan3A_373, %mul3A_421 : vector<16xf32>
          %mul3A_423 = arith.mulf %gather3A_380, %unpack3A_420 : vector<16xf32>
          %add3A_424 = arith.addf %scan3A_377, %mul3A_423 : vector<16xf32>
          scf.yield %add3A_389, %add3A_400, %add3A_411, %add3A_422, %add3A_391, %add3A_402, %add3A_413, %add3A_424 : vector<16xf32>, vector<16xf32>, vector<16xf32>, vector<16xf32>, vector<16xf32>, vector<16xf32>, vector<16xf32>, vector<16xf32>
        }
        %scan3A_265 = arith.constant 32 : i32
        %gather3A_266 = tpu.vector_load_idx %arg17[%broadcast_in_dim3A_250] : memref<16xf32, #tpu.memory_space<vmem>>[vector<16xi32>], vector<16xf32>,
        %add3A_267 = arith.constant 0 : i32
        %add3A_268 = vector.broadcast %add3A_267 : i32 to vector<16xi32>
        %add3A_269 = arith.addi %iota3A_149, %add3A_268 : vector<16xi32>
        %gather3A_270 = tpu.vector_load_idx %arg15[%broadcast_in_dim3A_250, %add3A_269] : memref<8x64xi32, #tpu.memory_space<vmem>>[vector<16xi32>, vector<16xi32>], vector<16xi32>,
        %bitcast3A = vector.bitcast %gather3A_270 : vector<16xi32> to vector<32xbf16>
        %unpack3A = tpu.unpack_subelements %bitcast3A, 0 {pack_format = #tpu.pack_format<interleaved>} : vector<32xbf16> -> vector<16xf32>
        %unpack3A_271 = tpu.unpack_subelements %bitcast3A, 1 {pack_format = #tpu.pack_format<interleaved>} : vector<32xbf16> -> vector<16xf32>
        %mul3A_272 = arith.mulf %gather3A_266, %unpack3A : vector<16xf32>
        %add3A_273 = arith.addf %scan3A_264#0, %mul3A_272 : vector<16xf32>
        %mul3A_274 = arith.mulf %gather3A_266, %unpack3A_271 : vector<16xf32>
        %add3A_275 = arith.addf %scan3A_264#4, %mul3A_274 : vector<16xf32>
        %add3A_276 = arith.constant 16 : i32
        %add3A_277 = vector.broadcast %add3A_276 : i32 to vector<16xi32>
        %add3A_278 = arith.addi %iota3A_149, %add3A_277 : vector<16xi32>
        %gather3A_279 = tpu.vector_load_idx %arg15[%broadcast_in_dim3A_250, %add3A_278] : memref<8x64xi32, #tpu.memory_space<vmem>>[vector<16xi32>, vector<16xi32>], vector<16xi32>,
        %bitcast3A_280 = vector.bitcast %gather3A_279 : vector<16xi32> to vector<32xbf16>
        %unpack3A_281 = tpu.unpack_subelements %bitcast3A_280, 0 {pack_format = #tpu.pack_format<interleaved>} : vector<32xbf16> -> vector<16xf32>
        %unpack3A_282 = tpu.unpack_subelements %bitcast3A_280, 1 {pack_format = #tpu.pack_format<interleaved>} : vector<32xbf16> -> vector<16xf32>
        %mul3A_283 = arith.mulf %gather3A_266, %unpack3A_281 : vector<16xf32>
        %add3A_284 = arith.addf %scan3A_264#1, %mul3A_283 : vector<16xf32>
        %mul3A_285 = arith.mulf %gather3A_266, %unpack3A_282 : vector<16xf32>
        %add3A_286 = arith.addf %scan3A_264#5, %mul3A_285 : vector<16xf32>
        %add3A_287 = arith.constant 32 : i32
        %add3A_288 = vector.broadcast %add3A_287 : i32 to vector<16xi32>
        %add3A_289 = arith.addi %iota3A_149, %add3A_288 : vector<16xi32>
        %gather3A_290 = tpu.vector_load_idx %arg15[%broadcast_in_dim3A_250, %add3A_289] : memref<8x64xi32, #tpu.memory_space<vmem>>[vector<16xi32>, vector<16xi32>], vector<16xi32>,
        %bitcast3A_291 = vector.bitcast %gather3A_290 : vector<16xi32> to vector<32xbf16>
        %unpack3A_292 = tpu.unpack_subelements %bitcast3A_291, 0 {pack_format = #tpu.pack_format<interleaved>} : vector<32xbf16> -> vector<16xf32>
        %unpack3A_293 = tpu.unpack_subelements %bitcast3A_291, 1 {pack_format = #tpu.pack_format<interleaved>} : vector<32xbf16> -> vector<16xf32>
        %mul3A_294 = arith.mulf %gather3A_266, %unpack3A_292 : vector<16xf32>
        %add3A_295 = arith.addf %scan3A_264#2, %mul3A_294 : vector<16xf32>
        %mul3A_296 = arith.mulf %gather3A_266, %unpack3A_293 : vector<16xf32>
        %add3A_297 = arith.addf %scan3A_264#6, %mul3A_296 : vector<16xf32>
        %add3A_298 = arith.constant 48 : i32
        %add3A_299 = vector.broadcast %add3A_298 : i32 to vector<16xi32>
        %add3A_300 = arith.addi %iota3A_149, %add3A_299 : vector<16xi32>
        %gather3A_301 = tpu.vector_load_idx %arg15[%broadcast_in_dim3A_250, %add3A_300] : memref<8x64xi32, #tpu.memory_space<vmem>>[vector<16xi32>, vector<16xi32>], vector<16xi32>,
        %bitcast3A_302 = vector.bitcast %gather3A_301 : vector<16xi32> to vector<32xbf16>
        %unpack3A_303 = tpu.unpack_subelements %bitcast3A_302, 0 {pack_format = #tpu.pack_format<interleaved>} : vector<32xbf16> -> vector<16xf32>
        %unpack3A_304 = tpu.unpack_subelements %bitcast3A_302, 1 {pack_format = #tpu.pack_format<interleaved>} : vector<32xbf16> -> vector<16xf32>
        %mul3A_305 = arith.mulf %gather3A_266, %unpack3A_303 : vector<16xf32>
        %add3A_306 = arith.addf %scan3A_264#3, %mul3A_305 : vector<16xf32>
        %mul3A_307 = arith.mulf %gather3A_266, %unpack3A_304 : vector<16xf32>
        %add3A_308 = arith.addf %scan3A_264#7, %mul3A_307 : vector<16xf32>
        %mul3A_309 = arith.constant 2 : i32
        %mul3A_310 = vector.broadcast %mul3A_309 : i32 to vector<16xi32>
        %mul3A_311 = arith.muli %mul3A_310, %iota3A_149 : vector<16xi32>
        %add3A_312 = arith.constant 0 : i32
        %add3A_313 = vector.broadcast %add3A_312 : i32 to vector<16xi32>
        %add3A_314 = arith.addi %mul3A_311, %add3A_313 : vector<16xi32>
        tpu.vector_store_idx %arg19[%broadcast_in_dim3A_250, %add3A_314], %add3A_273 : memref<8x128xf32, #tpu.memory_space<vmem>>[vector<16xi32>, vector<16xi32>], vector<16xf32>,
        %mul3A_315 = arith.constant 2 : i32
        %mul3A_316 = vector.broadcast %mul3A_315 : i32 to vector<16xi32>
        %mul3A_317 = arith.muli %mul3A_316, %iota3A_149 : vector<16xi32>
        %add3A_318 = arith.constant 0 : i32
        %add3A_319 = vector.broadcast %add3A_318 : i32 to vector<16xi32>
        %add3A_320 = arith.addi %mul3A_317, %add3A_319 : vector<16xi32>
        %add3A_321 = arith.constant 1 : i32
        %add3A_322 = vector.broadcast %add3A_321 : i32 to vector<16xi32>
        %add3A_323 = arith.addi %add3A_320, %add3A_322 : vector<16xi32>
        tpu.vector_store_idx %arg19[%broadcast_in_dim3A_250, %add3A_323], %add3A_275 : memref<8x128xf32, #tpu.memory_space<vmem>>[vector<16xi32>, vector<16xi32>], vector<16xf32>,
        %mul3A_324 = arith.constant 2 : i32
        %mul3A_325 = vector.broadcast %mul3A_324 : i32 to vector<16xi32>
        %mul3A_326 = arith.muli %mul3A_325, %iota3A_149 : vector<16xi32>
        %add3A_327 = arith.constant 32 : i32
        %add3A_328 = vector.broadcast %add3A_327 : i32 to vector<16xi32>
        %add3A_329 = arith.addi %mul3A_326, %add3A_328 : vector<16xi32>
        tpu.vector_store_idx %arg19[%broadcast_in_dim3A_250, %add3A_329], %add3A_284 : memref<8x128xf32, #tpu.memory_space<vmem>>[vector<16xi32>, vector<16xi32>], vector<16xf32>,
        %mul3A_330 = arith.constant 2 : i32
        %mul3A_331 = vector.broadcast %mul3A_330 : i32 to vector<16xi32>
        %mul3A_332 = arith.muli %mul3A_331, %iota3A_149 : vector<16xi32>
        %add3A_333 = arith.constant 32 : i32
        %add3A_334 = vector.broadcast %add3A_333 : i32 to vector<16xi32>
        %add3A_335 = arith.addi %mul3A_332, %add3A_334 : vector<16xi32>
        %add3A_336 = arith.constant 1 : i32
        %add3A_337 = vector.broadcast %add3A_336 : i32 to vector<16xi32>
        %add3A_338 = arith.addi %add3A_335, %add3A_337 : vector<16xi32>
        tpu.vector_store_idx %arg19[%broadcast_in_dim3A_250, %add3A_338], %add3A_286 : memref<8x128xf32, #tpu.memory_space<vmem>>[vector<16xi32>, vector<16xi32>], vector<16xf32>,
        %mul3A_339 = arith.constant 2 : i32
        %mul3A_340 = vector.broadcast %mul3A_339 : i32 to vector<16xi32>
        %mul3A_341 = arith.muli %mul3A_340, %iota3A_149 : vector<16xi32>
        %add3A_342 = arith.constant 64 : i32
        %add3A_343 = vector.broadcast %add3A_342 : i32 to vector<16xi32>
        %add3A_344 = arith.addi %mul3A_341, %add3A_343 : vector<16xi32>
        tpu.vector_store_idx %arg19[%broadcast_in_dim3A_250, %add3A_344], %add3A_295 : memref<8x128xf32, #tpu.memory_space<vmem>>[vector<16xi32>, vector<16xi32>], vector<16xf32>,
        %mul3A_345 = arith.constant 2 : i32
        %mul3A_346 = vector.broadcast %mul3A_345 : i32 to vector<16xi32>
        %mul3A_347 = arith.muli %mul3A_346, %iota3A_149 : vector<16xi32>
        %add3A_348 = arith.constant 64 : i32
        %add3A_349 = vector.broadcast %add3A_348 : i32 to vector<16xi32>
        %add3A_350 = arith.addi %mul3A_347, %add3A_349 : vector<16xi32>
        %add3A_351 = arith.constant 1 : i32
        %add3A_352 = vector.broadcast %add3A_351 : i32 to vector<16xi32>
        %add3A_353 = arith.addi %add3A_350, %add3A_352 : vector<16xi32>
        tpu.vector_store_idx %arg19[%broadcast_in_dim3A_250, %add3A_353], %add3A_297 : memref<8x128xf32, #tpu.memory_space<vmem>>[vector<16xi32>, vector<16xi32>], vector<16xf32>,
        %mul3A_354 = arith.constant 2 : i32
        %mul3A_355 = vector.broadcast %mul3A_354 : i32 to vector<16xi32>
        %mul3A_356 = arith.muli %mul3A_355, %iota3A_149 : vector<16xi32>
        %add3A_357 = arith.constant 96 : i32
        %add3A_358 = vector.broadcast %add3A_357 : i32 to vector<16xi32>
        %add3A_359 = arith.addi %mul3A_356, %add3A_358 : vector<16xi32>
        tpu.vector_store_idx %arg19[%broadcast_in_dim3A_250, %add3A_359], %add3A_306 : memref<8x128xf32, #tpu.memory_space<vmem>>[vector<16xi32>, vector<16xi32>], vector<16xf32>,
        %mul3A_360 = arith.constant 2 : i32
        %mul3A_361 = vector.broadcast %mul3A_360 : i32 to vector<16xi32>
        %mul3A_362 = arith.muli %mul3A_361, %iota3A_149 : vector<16xi32>
        %add3A_363 = arith.constant 96 : i32
        %add3A_364 = vector.broadcast %add3A_363 : i32 to vector<16xi32>
        %add3A_365 = arith.addi %mul3A_362, %add3A_364 : vector<16xi32>
        %add3A_366 = arith.constant 1 : i32
        %add3A_367 = vector.broadcast %add3A_366 : i32 to vector<16xi32>
        %add3A_368 = arith.addi %add3A_365, %add3A_367 : vector<16xi32>
        tpu.vector_store_idx %arg19[%broadcast_in_dim3A_250, %add3A_368], %add3A_308 : memref<8x128xf32, #tpu.memory_space<vmem>>[vector<16xi32>, vector<16xi32>], vector<16xf32>,
      }
      %scan3A_158 = arith.constant 8 : i32
      %mul3A_159 = arith.constant 8 : i32
      %mul3A_160 = arith.muli %add3A_74, %mul3A_159 : i32
      %add3A_161 = arith.addi %select_n3A, %mul3A_160 : i32
      %dma_start3A_162 = arith.constant 0 : i32
      %dma_start3A_163 = tpu.memref_slice %arg7[%add3A_161, %dma_start3A_162] : memref<10240x128xf32, #tpu.memory_space<hbm>> -> memref<8x128xf32, #tpu.memory_space<hbm>>
      %dma_start3A_164 = arith.constant 0 : i32
      %dma_start3A_165 = tpu.memref_slice %arg7[%add3A_161, %dma_start3A_164] : memref<10240x128xf32, #tpu.memory_space<hbm>> -> memref<8x128xf32, #tpu.memory_space<hbm>>
      tpu.enqueue_dma source(%arg19 : memref<8x128xf32, #tpu.memory_space<vmem>>) target(%dma_start3A_165 : memref<8x128xf32, #tpu.memory_space<hbm>>) target_semaphore(%arg23 : memref<!tpu.dma_semaphore, #tpu.memory_space<semaphore_mem>>)
    }
    %sub3A_53 = arith.constant 2 : i32
    %sub3A_54 = arith.subi %select_n3A_6, %sub3A_53 : i32
    %mul3A_55 = arith.constant 8 : i32
    %mul3A_56 = arith.muli %sub3A_54, %mul3A_55 : i32
    %add3A_57 = arith.addi %select_n3A, %mul3A_56 : i32
    %dma_wait3A = arith.constant 0 : i32
    %dma_wait3A_58 = tpu.memref_slice %arg7[%add3A_57, %dma_wait3A] : memref<10240x128xf32, #tpu.memory_space<hbm>> -> memref<8x128xf32, #tpu.memory_space<hbm>>
    %dma_wait3A_59 = arith.constant 0 : i32
    %dma_wait3A_60 = tpu.memref_slice %arg7[%add3A_57, %dma_wait3A_59] : memref<10240x128xf32, #tpu.memory_space<hbm>> -> memref<8x128xf32, #tpu.memory_space<hbm>>
    tpu.wait_dma2 semaphore(%arg22 : memref<!tpu.dma_semaphore, #tpu.memory_space<semaphore_mem>>) src(%arg18 : memref<8x128xf32, #tpu.memory_space<vmem>>) dst(%dma_wait3A_60 : memref<8x128xf32, #tpu.memory_space<hbm>>)
    %sub3A_61 = arith.constant 1 : i32
    %sub3A_62 = arith.subi %select_n3A_6, %sub3A_61 : i32
    %mul3A_63 = arith.constant 8 : i32
    %mul3A_64 = arith.muli %sub3A_62, %mul3A_63 : i32
    %add3A_65 = arith.addi %select_n3A, %mul3A_64 : i32
    %dma_wait3A_66 = arith.constant 0 : i32
    %dma_wait3A_67 = tpu.memref_slice %arg7[%add3A_65, %dma_wait3A_66] : memref<10240x128xf32, #tpu.memory_space<hbm>> -> memref<8x128xf32, #tpu.memory_space<hbm>>
    %dma_wait3A_68 = arith.constant 0 : i32
    %dma_wait3A_69 = tpu.memref_slice %arg7[%add3A_65, %dma_wait3A_68] : memref<10240x128xf32, #tpu.memory_space<hbm>> -> memref<8x128xf32, #tpu.memory_space<hbm>>
    tpu.wait_dma2 semaphore(%arg23 : memref<!tpu.dma_semaphore, #tpu.memory_space<semaphore_mem>>) src(%arg19 : memref<8x128xf32, #tpu.memory_space<vmem>>) dst(%dma_wait3A_69 : memref<8x128xf32, #tpu.memory_space<hbm>>)
    return
  }
}

module attributes {stable_mosaic.version = 14 : i64} {
  func.func @_tc_body(%arg0: i32, %arg1: memref<128x1024xf32, #tpu.memory_space<vmem>>, %arg2: memref<128x128xf32, #tpu.memory_space<vmem>>, %arg3: memref<128x8xf32, #tpu.memory_space<vmem>>, %arg4: memref<1024x128xbf16, #tpu.memory_space<vmem>>, %arg5: memref<8x1024xf32, #tpu.memory_space<vmem>>) attributes {dimension_semantics = [#tpu.dimension_semantics<arbitrary>], iteration_bounds = array<i64: 10>, scalar_prefetch = 0 : i64, scratch_operands = 0 : i64, tpu.core_type = #tpu.core_type<tc>, window_params = [{transform_indices = @transform_0, window_bounds = array<i64: 128, 1024>}, {pipeline_mode = #tpu.pipeline_mode<synchronous>, transform_indices = @transform_1, window_bounds = array<i64: 128, 128>}, {pipeline_mode = #tpu.pipeline_mode<synchronous>, transform_indices = @transform_2, window_bounds = array<i64: 128, 8>}, {transform_indices = @transform_3, window_bounds = array<i64: 1024, 128>}, {transform_indices = @transform_4, window_bounds = array<i64: 8, 1024>}]} {
    %get3A = arith.constant 0 : index
    %get3A_0 = arith.constant 0 : index
    %get3A_1 = vector.load %arg1[%get3A, %get3A_0] : memref<128x1024xf32, #tpu.memory_space<vmem>>, vector<128x1024xf32>
    %get3A_2 = arith.constant 0 : index
    %get3A_3 = arith.constant 0 : index
    %get3A_4 = vector.load %arg2[%get3A_2, %get3A_3] : memref<128x128xf32, #tpu.memory_space<vmem>>, vector<128x128xf32>
    %dot_general3A = arith.constant dense<0.000000e+00> : vector<1024x128xf32>
    %dot_general3A_5 = tpu.matmul %get3A_1, %get3A_4, %dot_general3A {dimension_numbers = #tpu.dot_dimension_numbers<[0], [1], [1], [0], [0, 1, 1, 0], [], []>, transpose_lhs_hint = false} : vector<128x1024xf32>, vector<128x128xf32>, vector<1024x128xf32> -> vector<1024x128xf32>
    %max3A = arith.constant 0.000000e+00 : f32
    %max3A_6 = vector.broadcast %max3A : f32 to vector<1024x128xf32>
    %max3A_7 = arith.maximumf %dot_general3A_5, %max3A_6 : vector<1024x128xf32>
    %convert_element_type3A = arith.truncf %max3A_7 : vector<1024x128xf32> to vector<1024x128xbf16>
    %swap3A = arith.constant 0 : index
    %swap3A_8 = arith.constant 0 : index
    %swap3A_9 = vector.load %arg4[%swap3A, %swap3A_8] : memref<1024x128xbf16, #tpu.memory_space<vmem>>, vector<1024x128xbf16>
    tpu.vector_store %arg4[%swap3A, %swap3A_8], %convert_element_type3A {strides = array<i32>} : memref<1024x128xbf16, #tpu.memory_space<vmem>>, vector<1024x128xbf16>,
    %get3A_10 = arith.constant 0 : index
    %get3A_11 = arith.constant 0 : index
    %get3A_12 = vector.load %arg3[%get3A_10, %get3A_11] : memref<128x8xf32, #tpu.memory_space<vmem>>, vector<128x8xf32>
    %dot_general3A_13 = arith.constant dense<0.000000e+00> : vector<8x1024xf32>
    %dot_general3A_14 = tpu.matmul %get3A_12, %max3A_7, %dot_general3A_13 {dimension_numbers = #tpu.dot_dimension_numbers<[0], [1], [1], [0], [0, 1, 1, 0], [], []>, transpose_lhs_hint = false} : vector<128x8xf32>, vector<1024x128xf32>, vector<8x1024xf32> -> vector<8x1024xf32>
    %swap3A_15 = arith.constant 0 : index
    %swap3A_16 = arith.constant 0 : index
    %swap3A_17 = vector.load %arg5[%swap3A_15, %swap3A_16] : memref<8x1024xf32, #tpu.memory_space<vmem>>, vector<8x1024xf32>
    tpu.vector_store %arg5[%swap3A_15, %swap3A_16], %dot_general3A_14 {strides = array<i32>} : memref<8x1024xf32, #tpu.memory_space<vmem>>, vector<8x1024xf32>,
    return
  }
  func.func @transform_0(%arg0: i32) -> (i32, i32) {
    %c0_i32 = arith.constant 0 : i32
    %c0_i32_0 = arith.constant 0 : i32
    return %c0_i32, %arg0 : i32, i32
  }
  func.func @transform_1(%arg0: i32) -> (i32, i32) {
    %c0_i32 = arith.constant 0 : i32
    %c0_i32_0 = arith.constant 0 : i32
    %c0_i32_1 = arith.constant 0 : i32
    return %c0_i32, %c0_i32_0 : i32, i32
  }
  func.func @transform_2(%arg0: i32) -> (i32, i32) {
    %c0_i32 = arith.constant 0 : i32
    %c0_i32_0 = arith.constant 0 : i32
    %c0_i32_1 = arith.constant 0 : i32
    return %c0_i32, %c0_i32_0 : i32, i32
  }
  func.func @transform_3(%arg0: i32) -> (i32, i32) {
    %c0_i32 = arith.constant 0 : i32
    %c0_i32_0 = arith.constant 0 : i32
    return %arg0, %c0_i32 : i32, i32
  }
  func.func @transform_4(%arg0: i32) -> (i32, i32) {
    %c0_i32 = arith.constant 0 : i32
    %c0_i32_0 = arith.constant 0 : i32
    return %c0_i32, %arg0 : i32, i32
  }
}

</mosaic_0001>

<sc_bundles>
// kernel: kernel.4.cloned.1.call-start
scs
__scs_entry_jumppad:
0x0: {  	(pc) =	sbr.rel $0x88, $3  }
0x1: {  	(tag) =	ssettag $0x0;
	lr =	simm.s32 $0x1  }
0x2: {  	[smem:$0x3F9C] =	sst lr;
	_ =	strace $0xD0000000  }
0x3: {  	_ = 	snop  }
0x4: {  	_ = 	snop  }
0x5: {  	_ = 	snop  }
0x6: {  	_ = 	snop  }
0x7: {  	_ = 	snop  }
__scs_overlays_trampoline_lowered:
0x8: {  	[smem:$0x3FAB] =	sst s0  }
0x9: {  	[smem:$0x3FAC] =	sst s1  }
0xa: {  	[smem:$0x3FAD] =	sst s2  }
0xb: {  	[smem:$0x3FAE] =	sst s3  }
0xc: {  	[smem:$0x3FAF] =	sst s4  }
0xd: {  	[smem:$0x3FB0] =	sst s5  }
0xe: {  	[smem:$0x3FB1] =	sst s6  }
0xf: {  	[smem:$0x3FB2] =	sst s7  }
0x10: {  	[smem:$0x3FB3] =	sst s8  }
0x11: {  	[smem:$0x3FB4] =	sst s9;
	s0 =	simm.s32 @!p0 $0x0  }
0x12: {  	s1 =	sld [smem:$0x3F9A];
	s0 =	simm.s32 @p0 $0x1  }
0x13: {  	[smem:$0x3FB5] =	sst s0;
	s0 =	simm.s32 @!p1 $0x0  }
0x14: {  	s2 =	sld [smem:$0x3F99];
	s0 =	simm.s32 @p1 $0x1  }
0x15: {  	[smem:$0x3FB6] =	sst s0;
	s0 =	simm.s32 @!p2 $0x0  }
0x16: {  	s3 =	sld [smem:$0x3FDB];
	s0 =	simm.s32 @p2 $0x1  }
0x17: {  	s4 =	simm.s32 $0x1BF5;
	[smem:$0x3FB8] =	sst s0  }
0x18: {  	s0 =	sld [smem:$0x3F9B];
	_ =	swait.ge [sflag:s4], $0x0  }
0x19: {  	s7 =	sld [smem:$0x3F9C]  }
0x1a: {  	s8 =	sadd.s32 $0xFFFFE003, lr  }
0x1b: {  	s9 =	sadd.s32 $0xFFFFFEF7, lr;
	s5 =	simm.s32 $0xFFFFFFFF;
	p2 =	slt.u32 s8, $0xFFFFF086  }
0x1c: {  	p1 =	slt.u32 s9, $0xF7A;
	s5 =	simm.s32 @!p2 $0x0  }
0x1d: {  	s5 =	simm.s32 @p1 $0x1;
	p0 =	seq.s32 s7, s2  }
0x1e: {  	s7 =	smul.u32 @!p0 $0xF7A, s2;
	p2 =	seq.s32 @!p0 s5, $0x0  }
0x1f: {  	s9 =	smul.u32 $0xF7A, s1;
	s8 =	simm.s32 @!p0 $0x1BF5;
	p2 =	por !p2, p0  }
0x20: {  	[sflag:s8] =	ssyncset.s32 @!p0 $0xFFFFF086;
	s6 =	sadd.s32 @!p0 s3, s7;
	s7 =	simm.s32 @!p0 $0x108  }
0x21: {  	s3 =	sadd.s32 s3, s9;
	s6 =	sadd.s32 @!p0 $0x88, s6;
	s7 =	simm.s32 @p2 $0x1082  }
0x22: {  	[simem:s7], [sflag:s8] =	dma.local @!p0 [hbm:s6], $0xF7A  }
0x23: {  	s9 =	sor.u32 $0xD0000000, s2;
	s6 =	simm.s32 $0x108;
	_ =	swait.ge @!p0 [sflag:s8], $0x0  }
0x24: {  	s3 =	sadd.s32 $0x88, s3;
	s6 =	simm.s32 @!p1 $0x1082;
	[sflag:s4] =	ssyncset.s32 $0xFFFFF086  }
0x25: {  	[simem:s6], [sflag:s4] =	dma.local [hbm:s3], $0xF7A  }
0x26: {  	[smem:$0x3F9C] =	sst s1;
	(tag) =	ssettag s2;
	_ =	strace s9  }
0x27: {  	s1 =	sld [smem:$0x3FAC]  }
0x28: {  	s2 =	sld [smem:$0x3FAD]  }
0x29: {  	s4 =	sld [smem:$0x3FAF]  }
0x2a: {  	p0 =	seq.s32 s5, $0x0;
	s5 =	sld [smem:$0x3FB0]  }
0x2b: {  	s6 =	sld [smem:$0x3FB1]  }
0x2c: {  	s7 =	sld [smem:$0x3FB2]  }
0x2d: {  	s3 =	simm.s32 $0x108;
	s8 =	sld [smem:$0x3FB3]  }
0x2e: {  	s3 =	simm.s32 @!p0 $0x1082;
	s9 =	sld [smem:$0x3FB4]  }
0x2f: {  	lr =	sadd.s32 s0, s3;
	s0 =	sld [smem:$0x3FAB]  }
0x30: {  	s3 =	sld [smem:$0x3FAE]  }
0x31: {  	[smem:$0x3FB7] =	sst s10  }
0x32: {  	s10 =	sld [smem:$0x3FB5];
	_ =	sdelay $0x3  }
0x33: {  	p0 =	seq.s32 s10, $0x1;
	s10 =	sld [smem:$0x3FB7];
	_ =	sdelay $0x3  }
0x34: {  	[smem:$0x3FB7] =	sst s10  }
0x35: {  	s10 =	sld [smem:$0x3FB6];
	_ =	sdelay $0x3  }
0x36: {  	p1 =	seq.s32 s10, $0x1;
	s10 =	sld [smem:$0x3FB7];
	_ =	sdelay $0x3  }
0x37: {  	[smem:$0x3FB7] =	sst s10  }
0x38: {  	s10 =	sld [smem:$0x3FB8]  }
0x39: {  	_ = 	snop;
	(pc) =	sbr.ind lr, $3  }
0x3a: {  	_ = 	snop  }
0x3b: {  	_ = 	snop  }
0x3c: {  	p2 =	seq.s32 s10, $0x1;
	s10 =	sld [smem:$0x3FB7]  }
0x3d: {  	_ =	shalt  }
0x3e: {  	_ =	shalt  }
0x3f: {  	_ =	shalt  }
0x40: {  	_ =	shalt  }
0x41: {  	_ =	shalt  }
0x42: {  	_ =	shalt  }
0x43: {  	_ =	shalt  }
0x44: {  	_ =	shalt  }
0x45: {  	_ =	shalt  }
0x46: {  	_ =	shalt  }
0x47: {  	_ =	shalt  }
0x48: {  	_ =	shalt  }
0x49: {  	_ =	shalt  }
0x4a: {  	_ =	shalt  }
0x4b: {  	_ =	shalt  }
0x4c: {  	_ =	shalt  }
0x4d: {  	_ =	shalt  }
0x4e: {  	_ =	shalt  }
0x4f: {  	_ =	shalt  }
0x50: {  	_ =	shalt  }
0x51: {  	_ =	shalt  }
0x52: {  	_ =	shalt  }
0x53: {  	_ =	shalt  }
0x54: {  	_ =	shalt  }
0x55: {  	_ =	shalt  }
0x56: {  	_ =	shalt  }
0x57: {  	_ =	shalt  }
0x58: {  	_ =	shalt  }
0x59: {  	_ =	shalt  }
0x5a: {  	_ =	shalt  }
0x5b: {  	_ =	shalt  }
0x5c: {  	_ =	shalt  }
0x5d: {  	_ =	shalt  }
0x5e: {  	_ =	shalt  }
0x5f: {  	_ =	shalt  }
0x60: {  	_ =	shalt  }
0x61: {  	_ =	shalt  }
0x62: {  	_ =	shalt  }
0x63: {  	_ =	shalt  }
0x64: {  	_ =	shalt  }
0x65: {  	_ =	shalt  }
0x66: {  	_ =	shalt  }
0x67: {  	_ =	shalt  }
0x68: {  	_ =	shalt  }
0x69: {  	_ =	shalt  }
0x6a: {  	_ =	shalt  }
0x6b: {  	_ =	shalt  }
0x6c: {  	_ =	shalt  }
0x6d: {  	_ =	shalt  }
0x6e: {  	_ =	shalt  }
0x6f: {  	_ =	shalt  }
0x70: {  	_ =	shalt  }
0x71: {  	_ =	shalt  }
0x72: {  	_ =	shalt  }
0x73: {  	_ =	shalt  }
0x74: {  	_ =	shalt  }
0x75: {  	_ =	shalt  }
0x76: {  	_ =	shalt  }
0x77: {  	_ =	shalt  }
0x78: {  	_ =	shalt  }
0x79: {  	_ =	shalt  }
0x7a: {  	_ =	shalt  }
0x7b: {  	_ =	shalt  }
0x7c: {  	_ =	shalt  }
0x7d: {  	_ =	shalt  }
0x7e: {  	_ =	shalt  }
0x7f: {  	_ =	shalt  }
0x80: {  	_ =	shalt  }
0x81: {  	_ =	shalt  }
0x82: {  	_ =	shalt  }
0x83: {  	_ =	shalt  }
0x84: {  	_ =	shalt  }
0x85: {  	_ =	shalt  }
0x86: {  	_ =	shalt  }
0x87: {  	_ =	shalt  }
.Lfunc_end0:
.L_simem_size_0:
called_computation_lowered:
.L_overlay_start_0:
0x88: {  	s2 =	sld [smem:$0x3FD9]  }
0x89: {  	s3 =	sld [smem:$0x3FFE];
	_ =	sdelay $0x1  }
0x8a: {  	s1 =	srdreg.scid  }
0x8b: {  	s0 =	sand.u32 $0x1, s1  }
0x8c: {  	s17 =	sshll.u32 s0, $0xA;
	s2 =	sadd.s32 s3, s2  }
0x8d: {  	s2 =	sadd.s32 s2, s17  }
0x8e: {  	[smem:$0x3FC3] =	sst s2  }
0x8f: {  	_ = 	snop  }
0x90: {  	s2 =	sld [smem:$0x3FD0];
	(tm) =	ssettm $0x1  }
0x91: {  	s18 =	sld [smem:$0x3FFB];
	_ =	sdelay $0x3  }
0x92: {  	_ =	strace s18  }
0x93: {  	s3 =	sld [smem:$0x3FFC];
	_ =	sdelay $0x3  }
0x94: {  	_ =	strace s3  }
0x95: {  	s3 =	sld [smem:$0x3FFD];
	_ =	sdelay $0x3  }
0x96: {  	_ =	strace s3  }
0x97: {  	_ =	strace $0x8FFFFFFF  }
0x98: {  	s19 =	sld [smem:$0x3FDB];
	_ =	sdelay $0x1  }
0x99: {  	s4 =	simm.s32 $_scs_section_size  }
0x9a: {  	s5 =	simm.s32 $_size__tile_overlayer_lowered;
	s6 =	simm.s32 $_tile_overlayer_lowered  }
0x9b: {  	s22 =	simm.s32 $0x1BFF;
	s21 =	sshll.u32 s6, $0x1;
	s3 =	sadd.s32 s4, s19  }
0x9c: {  	s7 =	simm.s32 $0x0;
	s20 =	sshll.u32 s5, $0x1;
	s5 =	sadd.s32 s21, s3  }
0x9d: {  	[timem:s7], [sflag:s22] =	dma.local [hbm:s5], s20  }
0x9e: {  	_ =	swait.ge [sflag:s22], s20  }
0x9f: {  	s4 =	ssub.s32 $0x0, s20;
	[sflag:s22] =	ssyncset.done $0x0  }
0xa0: {  	[sflag:s22] =	ssyncadd.s32 s4;
	_ =	sdelay $0x1  }
0xa1: {  	s23 =	simm.s32 $0x1B8B  }
0xa2: {  	_ =	swait.ge [sflag:s23], $0x1  }
0xa3: {  	[sflag:s23] =	ssyncset.done $0x0  }
0xa4: {  	s25 =	simm.s32 $0x1B8E;
	s24 =	sld [smem:$0x3FFE];
	[sflag:s23] =	ssyncadd.s32 $0xFFFFFFFF  }
0xa5: {  	s26 =	simm.s32 $execute0_lowered;
	[smem:$0x3FD2] =	sst s25  }
0xa6: {  	s5 =	sshll.u32 s26, $0x1;
	_ =	strace $0x80000046;
	[dreg:$0x1] =	wrdreg $0xFFFFFFFF  }
0xa7: {  	s28 =	simm.s32 $_size_execute0_lowered;
	s3 =	sadd.s32 s3, s5;
	[dreg:$0x0] =	wrdreg $0x0  }
0xa8: {  	s5 =	sshll.u32 s28, $0x1;
	[dreg:$0x2] =	wrdreg s3  }
0xa9: {  	[dreg:$0x3] =	wrdreg s5  }
0xaa: {  	[dreg:$0x4] =	wrdreg $0xC0  }
0xab: {  	_ =	task [dreg:s7], $0x5FFFF  }
0xac: {  	[dreg:$0x1] =	wrdreg $0xFFFFFFFF  }
0xad: {  	[dreg:$0x0] =	wrdreg $0x60  }
0xae: {  	[dreg:$0x2] =	wrdreg s2  }
0xaf: {  	[dreg:$0x3] =	wrdreg s24  }
0xb0: {  	[dreg:$0x4] =	wrdreg $0x9  }
0xb1: {  	_ =	task.clear_ibuf [dreg:s7], $0x5FFFF;
	_ =	strace $0x90000046  }
0xb2: {  	s29 =	simm.s32 $0x9;
	_ =	strace $0x80000048  }
0xb3: {  	_ =	swait.ge [sflag:s29], $0x1  }
0xb4: {  	[sflag:s29] =	ssyncadd.s32 $0xFFFFFFFF  }
0xb5: {  	_ =	strace $0x90000048  }
0xb6: {  	_ =	sfence  }
0xb7: {  	s30 =	sld [smem:$0x0];
	_ =	sdelay $0x2  }
0xb8: {  	s31 =	sshll.u32 s1, $0xD;
	s1 =	sshrl.u32 s1, $0x2  }
0xb9: {  	s3 =	sand.u32 $0x4000, s31;
	s1 =	sadd.s32 s1, s30  }
0xba: {  	s0 =	sor.u32 s3, s0;
	s1 =	sshll.u32 s1, $0x11  }
0xbb: {  	s0 =	sor.u32 s1, s0  }
0xbc: {  	s0 =	sadd.s32 $0x8F2B, s0  }
0xbd: {  	[sflag:s0] =	ssyncadd.remote.s32 $0x1  }
0xbe: {  	_ =	sfence.sel $0xFFFF  }
0xbf: {  	[dreg:$0x0] =	wrdreg $0xFFFFFFFF;
	(pc) =	sbr.abs _section_cstart, $3  }
0xc0: {  	[dreg:$0x1] =	wrdreg $0xFFFFFFFF  }
0xc1: {  	_ =	task.clear_ibuf [dreg:s7], $0x2FFFF;
	_ =	strace $0x9FFFFFFF  }
0xc2: {  	(tm) =	ssettm $0x7FFFFFFF  }
0xc3: {  	_ =	shalt  }
tec
execute0_lowered:
.L_overlay_start_1:
0x0: {  	(tag) =	ssettag $0x1  }
0x1: {  	s1 =	rddreg [dreg:$0x0]  }
0x2: {  	s0 =	rddreg [dreg:$0x1];
	s2 =	simm.s32 $0x0  }
0x3: {  	s3 =	srdreg.scid;
	s11 =	stileid.u32;
	s8 =	simm.s32 $0x4C  }
0x4: {  	s18 =	simm.s32 $0x2800;
	s28 =	simm.s32 $0x16C00;
	s29 =	simm.s32 $0x16D00  }
0x5: {  	s30 =	simm.s32 $0x16D10;
	s31 =	simm.s32 $0x2;
	[smem:$0x7FF] =	sst s2  }
0x6: {  	s4 =	sadd.s32 $0x800, s0;
	s3 =	sand.u32 $0x1, s3;
	s20 =	sadd.s32 $0x200, s0  }
0x7: {  	s21 =	sadd.s32 $0xAE00, s0;
	s9 =	sadd.s32 $0xE00, s0;
	s6 =	sadd.s32 $0x14E00, s0  }
0x8: {  	s10 =	smul.u32 $0x260, s11;
	_ =	strace $0x80000047;
	[dreg:$0x3] =	wrdreg s4  }
0x9: {  	s23 =	sshll.u32 s11, $0x5;
	s11 =	smul.u32 $0x980, s11;
	[dreg:$0x4] =	wrdreg s20  }
0xa: {  	s5 =	ssub.s32 $0x2, s3;
	p0 =	seq.s32 s3, $0x0;
	s20 =	simm.s32 $0x5000  }
0xb: {  	s7 =	sshrl.u32 s5, $0x1;
	s8 =	simm.s32 @!p0 $0x4;
	s4 =	sadd.s32 s21, s11  }
0xc: {  	s26 =	sadd.s32 s9, s11;
	s22 =	ssub.s32 s5, s7;
	[dreg:$0x7] =	wrdreg s4  }
0xd: {  	s7 =	sor.u32 $0x2600, s23;
	[dreg:$0x8] =	wrdreg s26;
	s14 =	sshrl.u32 s8, $0x1  }
0xe: {  	s23 =	simm.s32 $0x12800;
	s26 =	simm.s32 $0x9C00;
	s5 =	sshll.u32 s7, $0x2  }
0xf: {  	v0 =	vlaneseq.u32;
	s7 =	smov.u32 @p0 s10;
	s0 =	smax.u32 s22, $0x1;
	p0 =	sne.s32 s3, $0x0  }
0x10: {  	v1 =	vmul.u32 $0x2, v0;
	s22 =	simm.s32 $0x16800;
	s24 =	sadd.s32 s21, s5;
	s5 =	sadd.s32 s9, s5  }
0x11: {  	vm0 =	vmmov $0x1;
	v2 =	vor.u32 $0x10, v0;
	s25 =	sshll.u32 s7, $0x3;
	s15 =	sshll.u32 s7, $0x6;
	[dreg:$0xa] =	wrdreg s0  }
0x12: {  	v3 =	vor.u32 $0x20, v0;
	v4 =	vor.u32 $0x30, v0;
	v5 =	vor.u32 $0x1, v1;
	s21 =	simm.s32 $0xE800;
	s0 =	simm.s32 $0x17110;
	[dreg:$0x5] =	wrdreg s24  }
0x13: {  	v6 =	vor.u32 $0x20, v1;
	v7 =	vor.u32 $0x21, v1;
	v8 =	vor.u32 $0x40, v1;
	[dreg:$0x6] =	wrdreg s5;
	s4 =	sadd.s32 s1, s25;
	s24 =	simm.s32 $0x16A00  }
0x14: {  	v9 =	vor.u32 $0x41, v1;
	v10 =	vor.u32 $0x60, v1;
	v11 =	vor.u32 $0x61, v1;
	s25 =	simm.s32 $0x1;
	s5 =	simm.s32 $0x0;
	[dreg:$0x9] =	wrdreg s4  }
.LBB2_1:
0x15: {  	[dreg:$0xb] =	wrdreg s5  }
0x16: {  	s3 =	rddreg [dreg:$0x3];
	s4 =	simm.s32 $0x5  }
0x17: {  	[tilespmem:s2], [sflag:$0x5] =	stream.linear.gather [hbm4b:s3+s2], $0x2800, $0x38;
	[tilespmem:$0x17510] =	vst v63  }
0x18: {  	_ =	swait.ge [sflag:s4], $0x2800  }
0x19: {  	[sflag:s4] =	ssyncset.done $0x0  }
0x1a: {  	s16 =	rddreg [dreg:$0x4];
	[sflag:s4] =	ssyncadd.s32 $0xFFFFD800  }
0x1b: {  	[tilespmem:s18], [sflag:$0x5] =	stream.linear.gather [hbm4b:s16+s2], $0x2800, $0x38;
	[tilespmem:$0x17510] =	vst v63  }
0x1c: {  	_ =	swait.ge [sflag:s4], $0x2800  }
0x1d: {  	s3 =	simm.s32 @p0 $0x0;
	[sflag:s4] =	ssyncset.done $0x0  }
0x1e: {  	s5 =	rddreg [dreg:$0x5];
	[sflag:s4] =	ssyncadd.s32 $0xFFFFD800;
	s4 =	simm.s32 @p0 $0x5000  }
0x1f: {  	[tilespmem:s4], [sflag:$0x5] =	stream.linear.gather @p0 [hbm4b:s5+s3], $0x400, $0x38;
	[tilespmem:$0x17510] =	vst v63  }
0x20: {  	s4 =	simm.s32 @p0 $0x5  }
0x21: {  	_ =	swait.ge @p0 [sflag:s4], $0x400  }
0x22: {  	[sflag:s4] =	ssyncset.done @p0 $0x0  }
0x23: {  	s5 =	simm.s32 @p0 $0x9C00;
	s9 =	rddreg [dreg:$0x6];
	[sflag:s4] =	ssyncadd.s32 @p0 $0xFFFFFC00  }
0x24: {  	[tilespmem:s5], [sflag:$0x5] =	stream.linear.gather @p0 [hbm4b:s9+s3], $0x400, $0x38;
	[tilespmem:$0x17510] =	vst v63  }
0x25: {  	_ =	swait.ge @p0 [sflag:s4], $0x400  }
0x26: {  	s3 =	simm.s32 @!p0 $0x0;
	[sflag:s4] =	ssyncset.done @p0 $0x0  }
0x27: {  	s5 =	rddreg [dreg:$0x7];
	[sflag:s4] =	ssyncadd.s32 @p0 $0xFFFFFC00;
	s4 =	simm.s32 @!p0 $0x5000  }
0x28: {  	[tilespmem:s4], [sflag:$0x5] =	stream.linear.gather @!p0 [hbm4b:s5+s3], $0x4C00, $0x38;
	[tilespmem:$0x17510] =	vst v63  }
0x29: {  	s4 =	simm.s32 @!p0 $0x5  }
0x2a: {  	_ =	swait.ge @!p0 [sflag:s4], $0x4C00  }
0x2b: {  	[sflag:s4] =	ssyncset.done @!p0 $0x0  }
0x2c: {  	s5 =	simm.s32 @!p0 $0x9C00;
	s9 =	rddreg [dreg:$0x8];
	[sflag:s4] =	ssyncadd.s32 @!p0 $0xFFFFB400  }
0x2d: {  	[tilespmem:s5], [sflag:$0x5] =	stream.linear.gather @!p0 [hbm4b:s9+s3], $0x4C00, $0x38;
	[tilespmem:$0x17510] =	vst v63  }
0x2e: {  	_ =	swait.ge @!p0 [sflag:s4], $0x4C00  }
0x2f: {  	[sflag:s4] =	ssyncset.done @!p0 $0x0  }
0x30: {  	s17 =	simm.s32 $0x100;
	[sflag:s4] =	ssyncadd.s32 @!p0 $0xFFFFB400  }
0x31: {  	[tilespmem:s21], [sflag:$0x1] =	stream.indirect.gather [hbm4b:s1+s17], $0x40, s20, s17, $0xb8;
	[tilespmem:$0x17510] =	vst v63  }
0x32: {  	s9 =	simm.s32 $0x0;
	s19 =	rddreg [dreg:$0x9]  }
0x33: {  	[tilespmem:s22], [sflag:$0x1] =	stream.linear.gather [hbm4b:s19+s2], $0x200, $0x38;
	[tilespmem:$0x17510] =	vst v63  }
.LBB2_2:
0x34: {  	s3 =	sshllo.u32 s9, $0x1  }
0x35: {  	s4 =	sshll.u32 s3, $0xA;
	s10 =	sshll.u32 s3, $0x3  }
0x36: {  	s16 =	sshra.s32 s4, $0x2;
	s11 =	sadd.s32 s7, s10  }
0x37: {  	s17 =	simm.s32 $0x100;
	s3 =	sadd.s32 $0x5000, s16;
	s19 =	sshll.u32 s11, $0x3  }
0x38: {  	[tilespmem:s23], [sflag:$0x2] =	stream.indirect.gather [hbm4b:s1+s17], $0x40, s3, s17, $0xb8;
	[tilespmem:$0x17510] =	vst v63  }
0x39: {  	s3 =	sadd.s32 s1, s19  }
0x3a: {  	[tilespmem:s24], [sflag:$0x2] =	stream.linear.gather [hbm4b:s3+s2], $0x200, $0x38;
	[tilespmem:$0x17510] =	vst v63  }
0x3b: {  	_ =	swait.ge [sflag:s25], $0x4000  }
0x3c: {  	[sflag:s25] =	ssyncset.done $0x0  }
0x3d: {  	[sflag:s25] =	ssyncadd.s32 $0xFFFFC000  }
0x3e: {  	_ =	swait.ge [sflag:s25], $0x200  }
0x3f: {  	p1 =	seq.s32 s9, $0x0;
	[sflag:s25] =	ssyncset.done $0x0  }
0x40: {  	s3 =	simm.s32 @!p1 $0x3;
	[sflag:s25] =	ssyncadd.s32 $0xFFFFFE00  }
0x41: {  	s13 =	sshll.u32 s9, $0x4;
	s12 =	sshll.u32 s9, $0x1;
	_ =	swait.ge @!p1 [sflag:s3], $0x400  }
0x42: {  	s4 =	simm.s32 $0x0;
	s16 =	sadd.s32 s7, s13;
	[sflag:s3] =	ssyncset.done @!p1 $0x0  }
0x43: {  	s17 =	simm.s32 $0x0;
	[sflag:s3] =	ssyncadd.s32 @!p1 $0xFFFFFC00;
	s3 =	simm.s32 $0x0  }
.LBB2_3:
0x44: {  	s5 =	sor.u32 s13, s17  }
0x45: {  	s5 =	sshll.u32 s5, $0x5  }
0x46: {  	v12 =	vor.u32 s5, v0  }
0x47: {  	s5 =	sor.u32 $0x10, s5  }
0x48: {  	v13 =	vor.u32 s5, v0;
	_ =	sdelay $0x2  }
0x49: {  	s19 =	sor.u32 s16, s17;
	v14 =	vld.idx.msk [tilespmem:v12+s26+$0x0], $0xffff  }
0x4a: {  	v16 =	vmov s19;
	v12 =	vld.idx.msk [tilespmem:v12+s20+$0x0], $0xffff  }
0x4b: {  	v15 =	vld.idx.msk [tilespmem:v13+s26+$0x0], $0xffff  }
0x4c: {  	v13 =	vld.idx.msk [tilespmem:v13+s20+$0x0], $0xffff;
	_ =	sdelay $0x2  }
0x4d: {  	v17 =	vld.idx.msk [tilespmem:v16+s4+$0x0], $0xffff  }
0x4e: {  	v16 =	vld.idx.msk [tilespmem:v16+s18+$0x0], $0xffff  }
0x4f: {  	v14 =	vld.idx.msk [tilespmem:v14+s4+$0x0], $0xffff  }
0x50: {  	v12 =	vld.idx.msk [tilespmem:v12+s18+$0x0], $0xffff  }
0x51: {  	v15 =	vld.idx.msk [tilespmem:v15+s4+$0x0], $0xffff  }
0x52: {  	v13 =	vld.idx.msk [tilespmem:v13+s18+$0x0], $0xffff;
	_ =	sdelay $0x3  }
0x53: {  	v12 =	vadd.f32 v12, v14  }
0x54: {  	v14 =	vadd.f32 v16, v17;
	v13 =	vadd.f32 v13, v15  }
0x55: {  	v15 =	vmul.f32 $2.000000030e-01, v12  }
0x56: {  	v17 =	vmul.f32 $2.000000030e-01, v14;
	v16 =	vmul.f32 $2.000000030e-01, v13  }
0x57: {  	vm1 =	vge.f32 v12, $0.0e+00;
	vm3 =	vge.f32 v14, $0.0e+00;
	vm2 =	vge.f32 v13, $0.0e+00  }
0x58: {  	v12 =	vsel vm1, v12, v15;
	v14 =	vsel vm3, v14, v17;
	v13 =	vsel vm2, v13, v16  }
0x59: {  	v14 =	vnsel vm0, $0xF149F2CA, v14;
	v15 =	vmax.f32 v12, v13  }
0x5a: {  	v15 =	vmax.f32 v15, v14  }
0x5b: {  	(xrf0) =	vmax.scan.msk.f32 $0xffff, v15;
	_ =	sdelay $0x5  }
0x5c: {  	v15, _, _ =	vpop (xrf0)  }
0x5d: {  	v15 =	vbroadcast v15, $0xF;
	_ =	sdelay $0x1  }
0x5e: {  	v12 =	vsub.f32 v12, v15  }
0x5f: {  	v13 =	vsub.f32 v13, v15  }
0x60: {  	v12 =	vmul.f32 $1.442695020e+00, v12  }
0x61: {  	v14 =	vsub.f32 v14, v15;
	v13 =	vmul.f32 $1.442695020e+00, v13  }
0x62: {  	(erf) = vpow2.f32 v12  }
0x63: {  	v12 =	vmul.f32 $1.442695020e+00, v14;
	(erf) = vpow2.f32 v13;
	_ =	sdelay $0x1  }
0x64: {  	(erf) = vpow2.f32 v12;
	_ =	sdelay $0x5  }
0x65: {  	v13 =	vpop (erf)  }
0x66: {  	v14 =	vpop (erf)  }
0x67: {  	v12 =	vadd.f32 v14, v13  }
0x68: {  	v15 =	vpop (erf)  }
0x69: {  	v12 =	vadd.f32 v12, v15;
	_ =	sdelay $0x1  }
0x6a: {  	(xrf2) =	vadd.scan.msk.f32 $0xffff, v12;
	_ =	sdelay $0x9  }
0x6b: {  	v12, _, _ =	vpop (xrf2)  }
0x6c: {  	v12 =	vbroadcast v12, $0xF;
	_ =	sdelay $0x1  }
0x6d: {  	(erf) = vrcp.f32 v12;
	_ =	sdelay $0x5  }
0x6e: {  	s19 =	sshll.u32 s17, $0x5  }
0x6f: {  	s5 =	sor.u32 $0x10, s19;
	v16 =	vor.u32 s19, v0;
	s19 =	sadd.s32 $0x0, s3  }
0x70: {  	v17 =	vor.u32 s5, v0;
	v18 =	vmov s19  }
0x71: {  	v20 =	vshll.u32 v18, $0x6;
	v12 =	vmov s17;
	v19 =	vpop (erf)  }
0x72: {  	v21 =	vor.u32 v4, v20;
	v13 =	vmul.f32 v19, v13  }
0x73: {  	v14 =	vmul.f32 v19, v14  }
0x74: {  	[tilespmem:v16+s28+$0x0] =	vst.idx.msk $0xffff, v13;
	v13 =	vmul.f32 v19, v15;
	v15 =	vor.u32 v0, v20  }
0x75: {  	[tilespmem:v17+s28+$0x0] =	vst.idx.msk $0xffff, v14;
	v14 =	vor.u32 v2, v20  }
0x76: {  	[tilespmem:v12+s29+$0x0] =	vst.idx.msk $0x1, v13  }
0x77: {  	v17 =	vld.idx.msk [tilespmem:v21+s21+$0x0], $0xffff  }
0x78: {  	v13 =	vor.u32 v3, v20;
	v18 =	vld.idx.msk [tilespmem:v18+s28+$0x0], $0xffff  }
0x79: {  	s19 =	sadd.s32 $0x1, s3;
	v15 =	vld.idx.msk [tilespmem:v15+s21+$0x0], $0xffff  }
0x7a: {  	v21 =	vmov s19;
	v14 =	vld.idx.msk [tilespmem:v14+s21+$0x0], $0xffff  }
0x7b: {  	v19 =	vshll.u32 v21, $0x6  }
0x7c: {  	v16 =	vimm.f32 $0.0e+00;
	v22 =	vor.u32 v0, v19;
	v23 =	vor.u32 v4, v19  }
0x7d: {  	v20 =	vor.u32 v2, v19;
	v13 =	vld.idx.msk [tilespmem:v13+s21+$0x0], $0xffff;
	v24 =	vunpack.i.u.bf16.f32 v17;
	v17 =	vunpack.i.l.bf16.f32 v17  }
0x7e: {  	v19 =	vor.u32 v3, v19;
	v17 =	vmul.f32 v17, v18;
	v24 =	vmul.f32 v24, v18  }
0x7f: {  	v25 =	vunpack.i.u.bf16.f32 v15;
	v26 =	vunpack.i.l.bf16.f32 v15;
	v27 =	vunpack.i.u.bf16.f32 v14  }
0x80: {  	v14 =	vunpack.i.l.bf16.f32 v14;
	v15 =	vadd.f32 v24, v16;
	v26 =	vmul.f32 v26, v18  }
0x81: {  	v30 =	vmul.f32 v25, v18;
	v24 =	vld.idx.msk [tilespmem:v23+s21+$0x0], $0xffff;
	v23 =	vimm.f32 $0.0e+00;
	v25 =	vimm.f32 $0.0e+00  }
0x82: {  	v28 =	vunpack.i.u.bf16.f32 v13;
	v32 =	vunpack.i.l.bf16.f32 v13;
	v29 =	vmul.f32 v14, v18  }
0x83: {  	v14 =	vadd.f32 v17, v16;
	v17 =	vld.idx.msk [tilespmem:v21+s28+$0x0], $0xffff;
	v31 =	vmul.f32 v27, v18;
	v21 =	vimm.f32 $0.0e+00  }
0x84: {  	s5 =	simm.s32 $0x3;
	s19 =	sadd.s32 $0x2, s3;
	v13 =	vadd.f32 v26, v16;
	v27 =	vmul.f32 v32, v18;
	v26 =	vld.idx.msk [tilespmem:v22+s21+$0x0], $0xffff;
	v22 =	vimm.f32 $0.0e+00  }
.LBB2_4:
0x85: {  	p2 =	sne.s32 s5, $0x1F;
	v32 =	vmov s19;
	v33 =	vld.idx.msk [tilespmem:v20+s21+$0x0], $0xffff;
	v16 =	vadd.f32 v30, v16;
	v28 =	vmul.f32 v28, v18  }
0x86: {  	v23 =	vadd.f32 v29, v23;
	v18 =	vshll.u32 v32, $0x6;
	v30 =	vld.idx.msk [tilespmem:v19+s21+$0x0], $0xffff;
	v25 =	vadd.f32 v31, v25  }
0x87: {  	v31 =	vor.u32 v0, v18;
	v20 =	vor.u32 v2, v18;
	v29 =	vor.u32 v4, v18  }
0x88: {  	v19 =	vor.u32 v3, v18;
	v35 =	vunpack.i.u.bf16.f32 v24;
	v24 =	vunpack.i.l.bf16.f32 v24  }
0x89: {  	v22 =	vadd.f32 v27, v22;
	v34 =	vmul.f32 v24, v17;
	v24 =	vmul.f32 v35, v17;
	v18 =	vmovc v17  }
.Ltmp0:
0x8a: {  	v21 =	vadd.f32 v28, v21;
	v27 =	vunpack.i.u.bf16.f32 v26;
	v17 =	vunpack.i.l.bf16.f32 v26;
	(pc) =	sbr.rel @p2 .LBB2_4-.Ltmp0, $4  }
0x8b: {  	v35 =	vunpack.i.u.bf16.f32 v33;
	v26 =	vunpack.i.l.bf16.f32 v33;
	v15 =	vadd.f32 v24, v15  }
0x8c: {  	v33 =	vmul.f32 v17, v18;
	v28 =	vunpack.i.u.bf16.f32 v30;
	v36 =	vunpack.i.l.bf16.f32 v30;
	v24 =	vld.idx.msk [tilespmem:v29+s21+$0x0], $0xffff  }
0x8d: {  	v14 =	vadd.f32 v34, v14;
	v30 =	vmul.f32 v27, v18;
	v29 =	vmul.f32 v26, v18;
	v17 =	vld.idx.msk [tilespmem:v32+s28+$0x0], $0xffff  }
0x8e: {  	s19 =	sadd.s32 s5, s3;
	s5 =	sadd.s32 $0x1, s5;
	v13 =	vadd.f32 v33, v13;
	v27 =	vmul.f32 v36, v18;
	v26 =	vld.idx.msk [tilespmem:v31+s21+$0x0], $0xffff;
	v31 =	vmul.f32 v35, v18  }
0x8f: {  	_ =	sdelay $0x1  }
0x90: {  	v32 =	vmov s19;
	v16 =	vadd.f32 v30, v16  }
0x91: {  	v18 =	vmul.f32 v28, v18;
	v23 =	vadd.f32 v29, v23;
	v55 =	vshll.u32 v12, $0x6  }
0x92: {  	v20 =	vld.idx.msk [tilespmem:v20+s21+$0x0], $0xffff;
	v45 =	vshll.u32 v32, $0x6;
	v25 =	vadd.f32 v31, v25;
	v22 =	vadd.f32 v27, v22  }
0x93: {  	v57 =	vor.u32 v0, v55;
	v63 =	vor.u32 v2, v55;
	v39 =	vor.u32 v3, v55  }
0x94: {  	v19 =	vld.idx.msk [tilespmem:v19+s21+$0x0], $0xffff;
	v46 =	vor.u32 v0, v45;
	v47 =	vor.u32 v4, v45;
	v48 =	vor.u32 v2, v45  }
0x95: {  	v33 =	vunpack.i.u.bf16.f32 v24;
	v49 =	vunpack.i.l.bf16.f32 v24;
	v28 =	vor.u32 v3, v45  }
0x96: {  	v18 =	vadd.f32 v18, v21;
	v24 =	vmul.f32 v49, v17;
	v33 =	vmul.f32 v33, v17  }
0x97: {  	v50 =	vunpack.i.u.bf16.f32 v26;
	v51 =	vunpack.i.l.bf16.f32 v26;
	v52 =	vunpack.i.u.bf16.f32 v20  }
0x98: {  	v38 =	vld.idx.msk [tilespmem:v12+s29+$0x0], $0xffff;
	v20 =	vunpack.i.l.bf16.f32 v20;
	v15 =	vadd.f32 v33, v15;
	v26 =	vmul.f32 v51, v17  }
0x99: {  	v53 =	vunpack.i.u.bf16.f32 v19;
	v19 =	vunpack.i.l.bf16.f32 v19;
	v27 =	vmul.f32 v50, v17;
	v37 =	vld.idx.msk [tilespmem:v57+s22+$0x0], $0xffff  }
0x9a: {  	v14 =	vadd.f32 v24, v14;
	v20 =	vmul.f32 v20, v17;
	v21 =	vmul.f32 v52, v17;
	v41 =	vld.idx.msk [tilespmem:v63+s22+$0x0], $0xffff  }
0x9b: {  	v19 =	vmul.f32 v19, v17;
	v58 =	vmul.f32 v53, v17;
	v45 =	vld.idx.msk [tilespmem:v39+s22+$0x0], $0xffff;
	v13 =	vadd.f32 v26, v13  }
0x9c: {  	v30 =	vld.idx.msk [tilespmem:v47+s21+$0x0], $0xffff;
	v16 =	vadd.f32 v27, v16;
	v26 =	vor.u32 v4, v55;
	v20 =	vadd.f32 v20, v23  }
0x9d: {  	v54 =	vld.idx.msk [tilespmem:v46+s21+$0x0], $0xffff;
	v47 =	vshll.u32 v12, $0x7;
	v21 =	vadd.f32 v21, v25;
	v19 =	vadd.f32 v19, v22  }
0x9e: {  	v56 =	vld.idx.msk [tilespmem:v48+s21+$0x0], $0xffff;
	v17 =	vadd.f32 v58, v18;
	v50 =	vor.u32 v1, v47;
	v51 =	vor.u32 v5, v47  }
0x9f: {  	v59 =	vld.idx.msk [tilespmem:v28+s21+$0x0], $0xffff;
	v53 =	vor.u32 v6, v47;
	v55 =	vor.u32 v7, v47;
	v58 =	vor.u32 v9, v47  }
0xa0: {  	v32 =	vld.idx.msk [tilespmem:v32+s28+$0x0], $0xffff;
	v12 =	vor.u32 v11, v47;
	v43 =	vunpack.i.l.bf16.f32 v37;
	v46 =	vunpack.i.u.bf16.f32 v37  }
0xa1: {  	v49 =	vunpack.i.l.bf16.f32 v41;
	v52 =	vunpack.i.l.bf16.f32 v45;
	v57 =	vunpack.i.u.bf16.f32 v45  }
0xa2: {  	v60 =	vunpack.i.u.bf16.f32 v30;
	v61 =	vunpack.i.l.bf16.f32 v30;
	v62 =	vunpack.i.u.bf16.f32 v54  }
0xa3: {  	v24 =	vunpack.i.l.bf16.f32 v54;
	v36 =	vunpack.i.u.bf16.f32 v56;
	v44 =	vmul.f32 v43, v38  }
0xa4: {  	v40 =	vunpack.i.u.bf16.f32 v59;
	v48 =	vmul.f32 v46, v38;
	v54 =	vmul.f32 v52, v38  }
0xa5: {  	v23 =	vunpack.i.l.bf16.f32 v59;
	v59 =	vmul.f32 v57, v38;
	v27 =	vmul.f32 v61, v32  }
0xa6: {  	v29 =	vunpack.i.l.bf16.f32 v56;
	v25 =	vmul.f32 v60, v32;
	v24 =	vmul.f32 v24, v32  }
0xa7: {  	v56 =	vor.u32 v8, v47;
	v22 =	vmul.f32 v62, v32;
	v29 =	vmul.f32 v29, v32  }
0xa8: {  	v18 =	vmul.f32 v36, v32;
	v23 =	vmul.f32 v23, v32;
	v15 =	vadd.f32 v25, v15  }
0xa9: {  	v26 =	vld.idx.msk [tilespmem:v26+s22+$0x0], $0xffff;
	v42 =	vmul.f32 v40, v32;
	v13 =	vadd.f32 v24, v13;
	v16 =	vadd.f32 v22, v16  }
0xaa: {  	v61 =	vor.u32 v10, v47;
	v20 =	vadd.f32 v29, v20;
	v19 =	vadd.f32 v23, v19  }
0xab: {  	v22 =	vunpack.i.u.bf16.f32 v41;
	v23 =	vmul.f32 v49, v38;
	v13 =	vadd.f32 v44, v13  }
0xac: {  	v18 =	vadd.f32 v18, v21;
	v22 =	vmul.f32 v22, v38;
	v16 =	vadd.f32 v48, v16  }
0xad: {  	v14 =	vadd.f32 v27, v14;
	v20 =	vadd.f32 v23, v20;
	[tilespmem:v50+s30+$0x0] =	vst.idx.msk $0xffff, v13  }
0xae: {  	s17 =	sadd.s32 $0x1, s17;
	v17 =	vadd.f32 v42, v17;
	v60 =	vunpack.i.l.bf16.f32 v26;
	v18 =	vadd.f32 v22, v18;
	[tilespmem:v51+s30+$0x0] =	vst.idx.msk $0xffff, v16  }
0xaf: {  	p2 =	sne.s32 s17, $0x8;
	v19 =	vadd.f32 v54, v19;
	v62 =	vunpack.i.u.bf16.f32 v26;
	v23 =	vmul.f32 v60, v38;
	[tilespmem:v53+s30+$0x0] =	vst.idx.msk $0xffff, v20  }
.Ltmp1:
0xb0: {  	v17 =	vadd.f32 v59, v17;
	v63 =	vmul.f32 v62, v38;
	[tilespmem:v55+s30+$0x0] =	vst.idx.msk $0xffff, v18;
	(pc) =	sbr.rel @p2 .LBB2_3-.Ltmp1, $4  }
0xb1: {  	v14 =	vadd.f32 v23, v14;
	[tilespmem:v56+s30+$0x0] =	vst.idx.msk $0xffff, v19  }
0xb2: {  	v15 =	vadd.f32 v63, v15;
	[tilespmem:v58+s30+$0x0] =	vst.idx.msk $0xffff, v17  }
0xb3: {  	[tilespmem:v61+s30+$0x0] =	vst.idx.msk $0xffff, v14  }
0xb4: {  	s3 =	sadd.s32 $0x20, s3;
	[tilespmem:v12+s30+$0x0] =	vst.idx.msk $0xffff, v15  }
0xb5: {  	s3 =	sshll.u32 s16, $0x4  }
0xb6: {  	s3 =	sand.u32 $0x1FFFFF00, s3  }
0xb7: {  	s3 =	sadd.s32 s6, s3  }
0xb8: {  	[hbm4b:s3+s2] =	stream.linear.scatter [tilespmem:s30], [sflag:$0x3], $0x400, $0x38;
	[tilespmem:$0x17510] =	vst v63  }
0xb9: {  	s3 =	sadd.s32 $0x2, s12  }
0xba: {  	p2 =	sge.u32 s3, s8  }
0xbb: {  	s4 =	sshll.u32 @!p2 s3, $0x8;
	s3 =	sshll.u32 @!p2 s3, $0x9  }
0xbc: {  	s5 =	simm.s32 @!p2 $0x100;
	s4 =	sand.u32 @!p2 $0x3FFFFF00, s4;
	s3 =	sadd.s32 @!p2 s15, s3  }
0xbd: {  	s12 =	simm.s32 @!p2 $0xE800;
	s4 =	sadd.s32 @!p2 $0x5000, s4;
	s3 =	sshrl.u32 @!p2 s3, $0x3  }
0xbe: {  	[tilespmem:s12], [sflag:$0x1] =	stream.indirect.gather @!p2 [hbm4b:s1+s5], $0x40, s4, s5, $0xb8;
	[tilespmem:$0x17510] =	vst v63  }
0xbf: {  	s3 =	sadd.s32 @!p2 s1, s3;
	s4 =	simm.s32 @!p2 $0x0;
	s5 =	simm.s32 @!p2 $0x16800  }
0xc0: {  	[tilespmem:s5], [sflag:$0x1] =	stream.linear.gather @!p2 [hbm4b:s3+s4], $0x200, $0x38;
	[tilespmem:$0x17510] =	vst v63  }
0xc1: {  	_ =	swait.ge [sflag:s31], $0x4000  }
0xc2: {  	[sflag:s31] =	ssyncset.done $0x0  }
0xc3: {  	[sflag:s31] =	ssyncadd.s32 $0xFFFFC000  }
0xc4: {  	_ =	swait.ge [sflag:s31], $0x200  }
0xc5: {  	[sflag:s31] =	ssyncset.done $0x0  }
0xc6: {  	s3 =	simm.s32 @!p1 $0x4;
	[sflag:s31] =	ssyncadd.s32 $0xFFFFFE00  }
0xc7: {  	_ =	swait.ge @!p1 [sflag:s3], $0x400  }
0xc8: {  	s12 =	simm.s32 $0x0;
	[sflag:s3] =	ssyncset.done @!p1 $0x0  }
0xc9: {  	s4 =	simm.s32 $0x0;
	[sflag:s3] =	ssyncadd.s32 @!p1 $0xFFFFFC00;
	s3 =	simm.s32 $0x0  }
.LBB2_7:
0xca: {  	s5 =	sor.u32 s10, s12  }
0xcb: {  	s5 =	sshll.u32 s5, $0x5  }
0xcc: {  	v12 =	vor.u32 s5, v0  }
0xcd: {  	s5 =	sor.u32 $0x10, s5  }
0xce: {  	v13 =	vor.u32 s5, v0;
	_ =	sdelay $0x2  }
0xcf: {  	s16 =	sor.u32 s11, s12;
	v14 =	vld.idx.msk [tilespmem:v12+s26+$0x0], $0xffff  }
0xd0: {  	v16 =	vmov s16;
	v12 =	vld.idx.msk [tilespmem:v12+s20+$0x0], $0xffff  }
0xd1: {  	v15 =	vld.idx.msk [tilespmem:v13+s26+$0x0], $0xffff  }
0xd2: {  	v13 =	vld.idx.msk [tilespmem:v13+s20+$0x0], $0xffff;
	_ =	sdelay $0x2  }
0xd3: {  	v17 =	vld.idx.msk [tilespmem:v16+s4+$0x0], $0xffff  }
0xd4: {  	v16 =	vld.idx.msk [tilespmem:v16+s18+$0x0], $0xffff  }
0xd5: {  	v14 =	vld.idx.msk [tilespmem:v14+s4+$0x0], $0xffff  }
0xd6: {  	v12 =	vld.idx.msk [tilespmem:v12+s18+$0x0], $0xffff  }
0xd7: {  	v15 =	vld.idx.msk [tilespmem:v15+s4+$0x0], $0xffff  }
0xd8: {  	v13 =	vld.idx.msk [tilespmem:v13+s18+$0x0], $0xffff;
	_ =	sdelay $0x3  }
0xd9: {  	v12 =	vadd.f32 v12, v14  }
0xda: {  	v14 =	vadd.f32 v16, v17;
	v13 =	vadd.f32 v13, v15  }
0xdb: {  	v15 =	vmul.f32 $2.000000030e-01, v12  }
0xdc: {  	v17 =	vmul.f32 $2.000000030e-01, v14;
	v16 =	vmul.f32 $2.000000030e-01, v13  }
0xdd: {  	vm1 =	vge.f32 v12, $0.0e+00;
	vm3 =	vge.f32 v14, $0.0e+00;
	vm2 =	vge.f32 v13, $0.0e+00  }
0xde: {  	v12 =	vsel vm1, v12, v15;
	v14 =	vsel vm3, v14, v17;
	v13 =	vsel vm2, v13, v16  }
0xdf: {  	v14 =	vnsel vm0, $0xF149F2CA, v14;
	v15 =	vmax.f32 v12, v13  }
0xe0: {  	v15 =	vmax.f32 v15, v14  }
0xe1: {  	(xrf0) =	vmax.scan.msk.f32 $0xffff, v15;
	_ =	sdelay $0x5  }
0xe2: {  	v15, _, _ =	vpop (xrf0)  }
0xe3: {  	v15 =	vbroadcast v15, $0xF;
	_ =	sdelay $0x1  }
0xe4: {  	v12 =	vsub.f32 v12, v15  }
0xe5: {  	v13 =	vsub.f32 v13, v15  }
0xe6: {  	v12 =	vmul.f32 $1.442695020e+00, v12  }
0xe7: {  	v14 =	vsub.f32 v14, v15;
	v13 =	vmul.f32 $1.442695020e+00, v13  }
0xe8: {  	(erf) = vpow2.f32 v12  }
0xe9: {  	v12 =	vmul.f32 $1.442695020e+00, v14;
	(erf) = vpow2.f32 v13;
	_ =	sdelay $0x1  }
0xea: {  	(erf) = vpow2.f32 v12;
	_ =	sdelay $0x5  }
0xeb: {  	v13 =	vpop (erf)  }
0xec: {  	v14 =	vpop (erf)  }
0xed: {  	v12 =	vadd.f32 v14, v13  }
0xee: {  	v15 =	vpop (erf)  }
0xef: {  	v12 =	vadd.f32 v12, v15;
	_ =	sdelay $0x1  }
0xf0: {  	(xrf2) =	vadd.scan.msk.f32 $0xffff, v12;
	_ =	sdelay $0x9  }
0xf1: {  	v12, _, _ =	vpop (xrf2)  }
0xf2: {  	v12 =	vbroadcast v12, $0xF;
	_ =	sdelay $0x1  }
0xf3: {  	(erf) = vrcp.f32 v12;
	_ =	sdelay $0x5  }
0xf4: {  	s17 =	sshll.u32 s12, $0x5  }
0xf5: {  	s13 =	sadd.s32 $0x0, s3;
	s5 =	sor.u32 $0x10, s17;
	v16 =	vor.u32 s17, v0  }
0xf6: {  	v18 =	vmov s13;
	v17 =	vor.u32 s5, v0  }
0xf7: {  	v20 =	vshll.u32 v18, $0x6;
	v12 =	vmov s12;
	v19 =	vpop (erf)  }
0xf8: {  	v21 =	vor.u32 v4, v20;
	v13 =	vmul.f32 v19, v13  }
0xf9: {  	v14 =	vmul.f32 v19, v14  }
0xfa: {  	[tilespmem:v16+s28+$0x0] =	vst.idx.msk $0xffff, v13;
	v13 =	vmul.f32 v19, v15;
	v15 =	vor.u32 v0, v20  }
0xfb: {  	[tilespmem:v17+s28+$0x0] =	vst.idx.msk $0xffff, v14;
	v14 =	vor.u32 v2, v20  }
0xfc: {  	[tilespmem:v12+s29+$0x0] =	vst.idx.msk $0x1, v13  }
0xfd: {  	v17 =	vld.idx.msk [tilespmem:v21+s23+$0x0], $0xffff  }
0xfe: {  	v13 =	vor.u32 v3, v20;
	v18 =	vld.idx.msk [tilespmem:v18+s28+$0x0], $0xffff  }
0xff: {  	s19 =	sadd.s32 $0x1, s3;
	v15 =	vld.idx.msk [tilespmem:v15+s23+$0x0], $0xffff  }
0x100: {  	v21 =	vmov s19;
	v14 =	vld.idx.msk [tilespmem:v14+s23+$0x0], $0xffff  }
0x101: {  	v19 =	vshll.u32 v21, $0x6  }
0x102: {  	v16 =	vimm.f32 $0.0e+00;
	v22 =	vor.u32 v0, v19;
	v23 =	vor.u32 v4, v19  }
0x103: {  	v20 =	vor.u32 v2, v19;
	v13 =	vld.idx.msk [tilespmem:v13+s23+$0x0], $0xffff;
	v24 =	vunpack.i.u.bf16.f32 v17;
	v17 =	vunpack.i.l.bf16.f32 v17  }
0x104: {  	v19 =	vor.u32 v3, v19;
	v17 =	vmul.f32 v17, v18;
	v24 =	vmul.f32 v24, v18  }
0x105: {  	v25 =	vunpack.i.u.bf16.f32 v15;
	v26 =	vunpack.i.l.bf16.f32 v15;
	v27 =	vunpack.i.u.bf16.f32 v14  }
0x106: {  	v14 =	vunpack.i.l.bf16.f32 v14;
	v15 =	vadd.f32 v24, v16;
	v26 =	vmul.f32 v26, v18  }
0x107: {  	v30 =	vmul.f32 v25, v18;
	v24 =	vld.idx.msk [tilespmem:v23+s23+$0x0], $0xffff;
	v23 =	vimm.f32 $0.0e+00;
	v25 =	vimm.f32 $0.0e+00  }
0x108: {  	v28 =	vunpack.i.u.bf16.f32 v13;
	v32 =	vunpack.i.l.bf16.f32 v13;
	v29 =	vmul.f32 v14, v18  }
0x109: {  	v14 =	vadd.f32 v17, v16;
	v17 =	vld.idx.msk [tilespmem:v21+s28+$0x0], $0xffff;
	v31 =	vmul.f32 v27, v18;
	v21 =	vimm.f32 $0.0e+00  }
0x10a: {  	s13 =	sadd.s32 $0x2, s3;
	s5 =	simm.s32 $0x3;
	v13 =	vadd.f32 v26, v16;
	v27 =	vmul.f32 v32, v18;
	v26 =	vld.idx.msk [tilespmem:v22+s23+$0x0], $0xffff;
	v22 =	vimm.f32 $0.0e+00  }
.LBB2_8:
0x10b: {  	p1 =	sne.s32 s5, $0x1F;
	v32 =	vmov s13;
	v33 =	vld.idx.msk [tilespmem:v20+s23+$0x0], $0xffff;
	v16 =	vadd.f32 v30, v16;
	v28 =	vmul.f32 v28, v18  }
0x10c: {  	v23 =	vadd.f32 v29, v23;
	v18 =	vshll.u32 v32, $0x6;
	v30 =	vld.idx.msk [tilespmem:v19+s23+$0x0], $0xffff;
	v25 =	vadd.f32 v31, v25  }
0x10d: {  	v31 =	vor.u32 v0, v18;
	v20 =	vor.u32 v2, v18;
	v29 =	vor.u32 v4, v18  }
0x10e: {  	v19 =	vor.u32 v3, v18;
	v35 =	vunpack.i.u.bf16.f32 v24;
	v24 =	vunpack.i.l.bf16.f32 v24  }
0x10f: {  	v22 =	vadd.f32 v27, v22;
	v34 =	vmul.f32 v24, v17;
	v24 =	vmul.f32 v35, v17;
	v18 =	vmovc v17  }
.Ltmp2:
0x110: {  	v21 =	vadd.f32 v28, v21;
	v27 =	vunpack.i.u.bf16.f32 v26;
	v17 =	vunpack.i.l.bf16.f32 v26;
	(pc) =	sbr.rel @p1 .LBB2_8-.Ltmp2, $4  }
0x111: {  	v35 =	vunpack.i.u.bf16.f32 v33;
	v26 =	vunpack.i.l.bf16.f32 v33;
	v15 =	vadd.f32 v24, v15  }
0x112: {  	v33 =	vmul.f32 v17, v18;
	v28 =	vunpack.i.u.bf16.f32 v30;
	v36 =	vunpack.i.l.bf16.f32 v30;
	v24 =	vld.idx.msk [tilespmem:v29+s23+$0x0], $0xffff  }
0x113: {  	v14 =	vadd.f32 v34, v14;
	v30 =	vmul.f32 v27, v18;
	v29 =	vmul.f32 v26, v18;
	v17 =	vld.idx.msk [tilespmem:v32+s28+$0x0], $0xffff  }
0x114: {  	s13 =	sadd.s32 s5, s3;
	s5 =	sadd.s32 $0x1, s5;
	v13 =	vadd.f32 v33, v13;
	v27 =	vmul.f32 v36, v18;
	v26 =	vld.idx.msk [tilespmem:v31+s23+$0x0], $0xffff;
	v31 =	vmul.f32 v35, v18  }
0x115: {  	_ =	sdelay $0x1  }
0x116: {  	v32 =	vmov s13;
	v16 =	vadd.f32 v30, v16  }
0x117: {  	v18 =	vmul.f32 v28, v18;
	v23 =	vadd.f32 v29, v23;
	v55 =	vshll.u32 v12, $0x6  }
0x118: {  	v20 =	vld.idx.msk [tilespmem:v20+s23+$0x0], $0xffff;
	v45 =	vshll.u32 v32, $0x6;
	v25 =	vadd.f32 v31, v25;
	v22 =	vadd.f32 v27, v22  }
0x119: {  	v57 =	vor.u32 v0, v55;
	v63 =	vor.u32 v2, v55;
	v39 =	vor.u32 v3, v55  }
0x11a: {  	v19 =	vld.idx.msk [tilespmem:v19+s23+$0x0], $0xffff;
	v46 =	vor.u32 v0, v45;
	v47 =	vor.u32 v4, v45;
	v48 =	vor.u32 v2, v45  }
0x11b: {  	v33 =	vunpack.i.u.bf16.f32 v24;
	v49 =	vunpack.i.l.bf16.f32 v24;
	v28 =	vor.u32 v3, v45  }
0x11c: {  	v18 =	vadd.f32 v18, v21;
	v24 =	vmul.f32 v49, v17;
	v33 =	vmul.f32 v33, v17  }
0x11d: {  	v50 =	vunpack.i.u.bf16.f32 v26;
	v51 =	vunpack.i.l.bf16.f32 v26;
	v52 =	vunpack.i.u.bf16.f32 v20  }
0x11e: {  	v38 =	vld.idx.msk [tilespmem:v12+s29+$0x0], $0xffff;
	v20 =	vunpack.i.l.bf16.f32 v20;
	v15 =	vadd.f32 v33, v15;
	v26 =	vmul.f32 v51, v17  }
0x11f: {  	v53 =	vunpack.i.u.bf16.f32 v19;
	v19 =	vunpack.i.l.bf16.f32 v19;
	v27 =	vmul.f32 v50, v17;
	v37 =	vld.idx.msk [tilespmem:v57+s24+$0x0], $0xffff  }
0x120: {  	v14 =	vadd.f32 v24, v14;
	v20 =	vmul.f32 v20, v17;
	v21 =	vmul.f32 v52, v17;
	v41 =	vld.idx.msk [tilespmem:v63+s24+$0x0], $0xffff  }
0x121: {  	v19 =	vmul.f32 v19, v17;
	v58 =	vmul.f32 v53, v17;
	v45 =	vld.idx.msk [tilespmem:v39+s24+$0x0], $0xffff;
	v13 =	vadd.f32 v26, v13  }
0x122: {  	v30 =	vld.idx.msk [tilespmem:v47+s23+$0x0], $0xffff;
	v16 =	vadd.f32 v27, v16;
	v26 =	vor.u32 v4, v55;
	v20 =	vadd.f32 v20, v23  }
0x123: {  	v54 =	vld.idx.msk [tilespmem:v46+s23+$0x0], $0xffff;
	v47 =	vshll.u32 v12, $0x7;
	v21 =	vadd.f32 v21, v25;
	v19 =	vadd.f32 v19, v22  }
0x124: {  	v56 =	vld.idx.msk [tilespmem:v48+s23+$0x0], $0xffff;
	v17 =	vadd.f32 v58, v18;
	v50 =	vor.u32 v1, v47;
	v51 =	vor.u32 v5, v47  }
0x125: {  	v59 =	vld.idx.msk [tilespmem:v28+s23+$0x0], $0xffff;
	v53 =	vor.u32 v6, v47;
	v55 =	vor.u32 v7, v47;
	v58 =	vor.u32 v9, v47  }
0x126: {  	v32 =	vld.idx.msk [tilespmem:v32+s28+$0x0], $0xffff;
	v12 =	vor.u32 v11, v47;
	v43 =	vunpack.i.l.bf16.f32 v37;
	v46 =	vunpack.i.u.bf16.f32 v37  }
0x127: {  	v49 =	vunpack.i.l.bf16.f32 v41;
	v52 =	vunpack.i.l.bf16.f32 v45;
	v57 =	vunpack.i.u.bf16.f32 v45  }
0x128: {  	v60 =	vunpack.i.u.bf16.f32 v30;
	v61 =	vunpack.i.l.bf16.f32 v30;
	v62 =	vunpack.i.u.bf16.f32 v54  }
0x129: {  	v24 =	vunpack.i.l.bf16.f32 v54;
	v36 =	vunpack.i.u.bf16.f32 v56;
	v44 =	vmul.f32 v43, v38  }
0x12a: {  	v40 =	vunpack.i.u.bf16.f32 v59;
	v48 =	vmul.f32 v46, v38;
	v54 =	vmul.f32 v52, v38  }
0x12b: {  	v23 =	vunpack.i.l.bf16.f32 v59;
	v59 =	vmul.f32 v57, v38;
	v27 =	vmul.f32 v61, v32  }
0x12c: {  	v29 =	vunpack.i.l.bf16.f32 v56;
	v25 =	vmul.f32 v60, v32;
	v24 =	vmul.f32 v24, v32  }
0x12d: {  	v56 =	vor.u32 v8, v47;
	v22 =	vmul.f32 v62, v32;
	v29 =	vmul.f32 v29, v32  }
0x12e: {  	v18 =	vmul.f32 v36, v32;
	v23 =	vmul.f32 v23, v32;
	v15 =	vadd.f32 v25, v15  }
0x12f: {  	v26 =	vld.idx.msk [tilespmem:v26+s24+$0x0], $0xffff;
	v42 =	vmul.f32 v40, v32;
	v13 =	vadd.f32 v24, v13;
	v16 =	vadd.f32 v22, v16  }
0x130: {  	v61 =	vor.u32 v10, v47;
	v20 =	vadd.f32 v29, v20;
	v19 =	vadd.f32 v23, v19  }
0x131: {  	v22 =	vunpack.i.u.bf16.f32 v41;
	v23 =	vmul.f32 v49, v38;
	v13 =	vadd.f32 v44, v13  }
0x132: {  	v18 =	vadd.f32 v18, v21;
	v22 =	vmul.f32 v22, v38;
	v16 =	vadd.f32 v48, v16  }
0x133: {  	v14 =	vadd.f32 v27, v14;
	v20 =	vadd.f32 v23, v20;
	[tilespmem:v50+s0+$0x0] =	vst.idx.msk $0xffff, v13  }
0x134: {  	s12 =	sadd.s32 $0x1, s12;
	v17 =	vadd.f32 v42, v17;
	v60 =	vunpack.i.l.bf16.f32 v26;
	v18 =	vadd.f32 v22, v18;
	[tilespmem:v51+s0+$0x0] =	vst.idx.msk $0xffff, v16  }
0x135: {  	p1 =	sne.s32 s12, $0x8;
	v19 =	vadd.f32 v54, v19;
	v62 =	vunpack.i.u.bf16.f32 v26;
	v23 =	vmul.f32 v60, v38;
	[tilespmem:v53+s0+$0x0] =	vst.idx.msk $0xffff, v20  }
.Ltmp3:
0x136: {  	v17 =	vadd.f32 v59, v17;
	v63 =	vmul.f32 v62, v38;
	[tilespmem:v55+s0+$0x0] =	vst.idx.msk $0xffff, v18;
	(pc) =	sbr.rel @p1 .LBB2_7-.Ltmp3, $4  }
0x137: {  	v14 =	vadd.f32 v23, v14;
	[tilespmem:v56+s0+$0x0] =	vst.idx.msk $0xffff, v19  }
0x138: {  	v15 =	vadd.f32 v63, v15;
	[tilespmem:v58+s0+$0x0] =	vst.idx.msk $0xffff, v17  }
0x139: {  	[tilespmem:v61+s0+$0x0] =	vst.idx.msk $0xffff, v14  }
0x13a: {  	s3 =	sadd.s32 $0x20, s3;
	[tilespmem:v12+s0+$0x0] =	vst.idx.msk $0xffff, v15  }
0x13b: {  	s9 =	sadd.s32 $0x1, s9  }
0x13c: {  	p1 =	sne.s32 s9, s14  }
.Ltmp4:
0x13d: {  	_ = 	snop;
	(pc) =	sbr.rel @p1 .LBB2_2-.Ltmp4, $4  }
0x13e: {  	_ = 	snop  }
0x13f: {  	s3 =	sshll.u32 s11, $0x4  }
0x140: {  	s3 =	sadd.s32 s6, s3  }
0x141: {  	[hbm4b:s3+s2] =	stream.linear.scatter [tilespmem:s0], [sflag:$0x4], $0x400, $0x38;
	[tilespmem:$0x17510] =	vst v63  }
0x142: {  	s3 =	simm.s32 $0x3  }
0x143: {  	_ =	swait.ge [sflag:s3], $0x400  }
0x144: {  	[sflag:s3] =	ssyncset.done $0x0  }
0x145: {  	s4 =	simm.s32 $0x4;
	[sflag:s3] =	ssyncadd.s32 $0xFFFFFC00  }
0x146: {  	_ =	swait.ge [sflag:s4], $0x400  }
0x147: {  	s5 =	rddreg [dreg:$0xb]  }
0x148: {  	s19 =	rddreg [dreg:$0xa];
	s5 =	sadd.s32 $0x1, s5  }
0x149: {  	p1 =	sne.s32 s5, s19  }
.Ltmp5:
0x14a: {  	_ = 	snop;
	(pc) =	sbr.rel @p1 .LBB2_1-.Ltmp5, $3  }
0x14b: {  	_ =	sdelay $0x1  }
0x14c: {  	[sflag:s4] =	ssyncset.done $0x0  }
0x14d: {  	[sflag:s4] =	ssyncadd.s32 $0xFFFFFC00  }
0x14e: {  	_ =	sfence.sel $0x180000  }
0x14f: {  	[bflag:$0x0] =	sbarrier.arrive $0xFFFF  }
0x150: {  	_ =	strace $0x90000047  }
0x151: {  	s0 =	stileid.u32;
	[bflag:$0x2] =	sbarrier.arrive $0xFFFF  }
0x152: {  	p0 =	sne.s32 s0, $0x0;
	s0 =	rddreg [dreg:$0x2]  }
0x153: {  	s0 =	sadd.s32 @!p0 $0x100000, s0  }
0x154: {  	[sflag:s0] =	ssyncadd.tile.s32 @!p0 $0x1;
	_ =	shalt  }
.Lfunc_end2:
_tile_overlayer_lowered:
.L_overlay_start_2:
0x155: {  	(tag) =	ssettag $0x2  }
0x156: {  	s0 =	rddreg [dreg:$0x0];
	s2 =	stileid.u32  }
0x157: {  	s1 =	rddreg [dreg:$0x1];
	p0 =	sne.s32 s2, $0x0  }
0x158: {  	s3 =	rddreg [dreg:$0x2];
	[bflag:$0x3] =	sbarrier.arrive $0xFFFF;
	s2 =	simm.s32 @!p0 $0x1C05  }
0x159: {  	[timem:s3], [sflag:s2] =	dma.local @!p0 [hbm:s0], s1  }
0x15a: {  	s0 =	simm.s32 @!p0 $0x5  }
0x15b: {  	_ =	swait.ge @!p0 [sflag:s0], s1  }
0x15c: {  	s1 =	ssub.s32 @!p0 $0x0, s1;
	[sflag:s0] =	ssyncset.done @!p0 $0x0  }
0x15d: {  	[sflag:s0] =	ssyncadd.s32 @!p0 s1  }
0x15e: {  	[bflag:$0x3] =	sbarrier.arrive $0xFFFF  }
0x15f: {  	_ =	shalt  }

</sc_bundles>
